<compile_context>
chip_gen: v7x
topology: tpu7x:2x2x1
jax: 0.10.2.dev20260603
libtpu: 0.0.44.dev20260713+nightly
codegen_flags: <defaults>
</compile_context>

<pallas_src>
import dataclasses

import jax
import jax.numpy as jnp
from jax import lax
from jax.experimental import pallas as pl
from jax.experimental.pallas import tpu as pltpu
from jax.experimental.pallas import tpu_sc as plsc

_B = 16384
_S = 168
_N = _B * _S
_CHUNK = 6144
_TAB_PAD = 9216

_YEAR0 = 2015


def _sc_lookup(tab_pad, slope16, weeks, weekdays, hours, years):
    mesh = plsc.VectorSubcoreMesh(core_axis_name="c", subcore_axis_name="s")
    cp = pltpu.CompilerParams()
    if "needs_layout_passes" in pltpu.CompilerParams.__dataclass_fields__:
        cp = dataclasses.replace(cp, needs_layout_passes=False)
    cp = dataclasses.replace(cp, use_tc_tiling_on_sc=False)

    @pl.kernel(
        compiler_params=cp,
        out_type=jax.ShapeDtypeStruct((_N,), jnp.float32),
        mesh=mesh,
        scratch_types=[
            pltpu.VMEM((_TAB_PAD,), jnp.float32),
            pltpu.VMEM((16,), jnp.float32),
        ],
    )
    def k(tab_hbm, slope_hbm, w_hbm, d_hbm, h_hbm, y_hbm, o_hbm, tab_v, slope_v):
        pltpu.sync_copy(tab_hbm, tab_v)
        pltpu.sync_copy(slope_hbm, slope_v)

        def body(w_ref, d_ref, h_ref, y_ref, o_ref):
            sv = slope_v[...]

            @plsc.parallel_loop(0, _CHUNK, 128, unroll=4)
            def _(r):
                for c in range(0, 128, 16):
                    s = pl.ds(r + c, 16)
                    w = w_ref[s]
                    d = d_ref[s]
                    h = h_ref[s]
                    y = y_ref[s]
                    idx = w * 168 + d * 24 + h
                    base = plsc.load_gather(tab_v, [idx])
                    yf = (y - _YEAR0).astype(jnp.float32)
                    o_ref[s] = base + sv * yf

        spec = pl.BlockSpec((_CHUNK,), lambda i: (i,))
        pltpu.emit_pipeline(
            body,
            grid=(_N // _CHUNK,),
            in_specs=[spec, spec, spec, spec],
            out_specs=[spec],
            core_axis_name=("c", "s"),
            dimension_semantics=(pltpu.PARALLEL,),
        )(w_hbm, d_hbm, h_hbm, y_hbm, o_hbm)

    return k(tab_pad, slope16, weeks, weekdays, hours, years)


@jax.jit
def kernel(loaddata, weeks, years, weekdays, hours, seasonal_delta,
           cosmic_slope, cosmic_intersection):
    del loaddata
    flat = seasonal_delta.reshape(-1) + cosmic_intersection
    tab_pad = jnp.zeros((_TAB_PAD,), jnp.float32)
    tab_pad = lax.dynamic_update_slice(tab_pad, flat, (192,))
    slope16 = jnp.full((16,), cosmic_slope, jnp.float32)

    def flat(x):
        return (x.T.reshape(21, 8, 128, 128)
                .transpose(0, 2, 1, 3).reshape(-1))

    out = _sc_lookup(
        tab_pad, slope16,
        flat(weeks), flat(weekdays), flat(hours), flat(years),
    )
    return (out.reshape(21, 128, 8, 128).transpose(0, 2, 1, 3)
            .reshape(_S, _B).T[..., None])

# --- scband reference (transcript-rebuilt; emitter-appended) ---
"""Pipeline reference for scband-naive-model-25855703122633 (READ-ONLY COPY).

The authoritative reference and input builder live on the scoring server;
editing this copy changes nothing except your own understanding.
"""

import jax, jax.numpy as jnp
import numpy as np

B = 16384
S = 7 * 24  # 168
YEAR0 = 2015


def setup_inputs(seed: int = 0) -> dict:
    key = jax.random.key(seed)
    k1, k2, k3, k4, k5, k6, k7, k8 = jax.random.split(key, 8)
    loaddata = jax.random.normal(k1, (B, S, 1), dtype=jnp.float32)
    # metadata in the original torch module is a nested list of datetime strings;
    # here it is pre-parsed into the integer fields the forward actually consumes.
    weeks = jax.random.randint(k2, (B, S), 1, 54, dtype=jnp.int32)      # ISO week in [1, 53]
    weekdays = jax.random.randint(k3, (B, S), 1, 8, dtype=jnp.int32)    # ISO weekday in [1, 7]
    hours = jax.random.randint(k4, (B, S), 0, 24, dtype=jnp.int32)      # hour in [0, 24)
    years = jax.random.randint(k5, (B, S), 2015, 2025, dtype=jnp.int32)
    # learned (frozen) parameters
    seasonal_delta = jax.random.normal(k6, (53, 7, 24), dtype=jnp.float32)
    cosmic_slope = jax.random.normal(k7, (), dtype=jnp.float32)
    cosmic_intersection = jax.random.normal(k8, (), dtype=jnp.float32)
    return {
        "loaddata": loaddata,
        "weeks": weeks,
        "years": years,
        "weekdays": weekdays,
        "hours": hours,
        "seasonal_delta": seasonal_delta,
        "cosmic_slope": cosmic_slope,
        "cosmic_intersection": cosmic_intersection,
    }


def reference(loaddata, weeks, years, weekdays, hours, seasonal_delta, cosmic_slope, cosmic_intersection):
    # out[i, j, 0] = seasonal_delta[week-1, weekday-1, hour]
    #              + cosmic_intersection + cosmic_slope * (year - 2015)
    base = seasonal_delta[weeks - 1, weekdays - 1, hours]  # [B, S] gather into 3-D table
    trend = cosmic_intersection + cosmic_slope * (years - YEAR0).astype(jnp.float32)
    out = (base + trend)[..., None]  # [B, S, 1]
    return out

if __name__ == "__main__":
    import jax
    _d = setup_inputs()
    print(jax.jit(kernel)(*tuple(_d.values())))

</pallas_src>

<mosaic_0001>
#map = affine_map<(d0, d1) -> (0)>
module attributes {stable_mosaic.version = 14 : i64} {
  func.func @k(%arg0: i32, %arg1: i32, %arg2: memref<9216xf32, #tpu.memory_space<hbm>>, %arg3: memref<16xf32, #tpu.memory_space<hbm>>, %arg4: memref<2752512xi32, #tpu.memory_space<hbm>>, %arg5: memref<2752512xi32, #tpu.memory_space<hbm>>, %arg6: memref<2752512xi32, #tpu.memory_space<hbm>>, %arg7: memref<2752512xi32, #tpu.memory_space<hbm>>, %arg8: memref<2752512xf32, #tpu.memory_space<hbm>>, %arg9: memref<9216xf32, #tpu.memory_space<vmem>>, %arg10: memref<16xf32, #tpu.memory_space<vmem>>) attributes {dimension_semantics = [#tpu.dimension_semantics<core_parallel>, #tpu.dimension_semantics<subcore_parallel>], iteration_bounds = array<i64: 2, 16>, scalar_prefetch = 0 : i64, scratch_operands = 2 : i64, tpu.core_type = #tpu.core_type<sc_vector_subcore>, window_params = [{transform_indices = #map}, {transform_indices = #map}, {transform_indices = #map}, {transform_indices = #map}, {transform_indices = #map}, {transform_indices = #map}, {transform_indices = #map}]} {
    "tpu.region"() ({
      %run_scoped3A = tpu.sem_alloc : memref<!tpu.dma_semaphore, #tpu.memory_space<semaphore_mem>>
      tpu.enqueue_dma source(%arg2 : memref<9216xf32, #tpu.memory_space<hbm>>) target(%arg9 : memref<9216xf32, #tpu.memory_space<vmem>>) target_semaphore(%run_scoped3A : memref<!tpu.dma_semaphore, #tpu.memory_space<semaphore_mem>>)
      tpu.wait_dma2 semaphore(%run_scoped3A : memref<!tpu.dma_semaphore, #tpu.memory_space<semaphore_mem>>) src(%arg2 : memref<9216xf32, #tpu.memory_space<hbm>>) dst(%arg9 : memref<9216xf32, #tpu.memory_space<vmem>>)
      tpu.yield
    }) : () -> ()
    "tpu.region"() ({
      %run_scoped3A = tpu.sem_alloc : memref<!tpu.dma_semaphore, #tpu.memory_space<semaphore_mem>>
      tpu.enqueue_dma source(%arg3 : memref<16xf32, #tpu.memory_space<hbm>>) target(%arg10 : memref<16xf32, #tpu.memory_space<vmem>>) target_semaphore(%run_scoped3A : memref<!tpu.dma_semaphore, #tpu.memory_space<semaphore_mem>>)
      tpu.wait_dma2 semaphore(%run_scoped3A : memref<!tpu.dma_semaphore, #tpu.memory_space<semaphore_mem>>) src(%arg3 : memref<16xf32, #tpu.memory_space<hbm>>) dst(%arg10 : memref<16xf32, #tpu.memory_space<vmem>>)
      tpu.yield
    }) : () -> ()
    %mul3A = arith.constant 1 : i32
    %mul3A_0 = arith.muli %arg1, %mul3A : i32
    %add3A = arith.constant 0 : i32
    %add3A_1 = arith.addi %add3A, %mul3A_0 : i32
    %mul3A_2 = arith.constant 16 : i32
    %mul3A_3 = arith.muli %arg0, %mul3A_2 : i32
    %add3A_4 = arith.addi %add3A_1, %mul3A_3 : i32
    %mul3A_5 = arith.constant 14 : i32
    %mul3A_6 = arith.muli %add3A_4, %mul3A_5 : i32
    "tpu.region"() ({
      %run_scoped3A = memref.alloca() : memref<12288xi32, #tpu.memory_space<vmem>>
      %run_scoped3A_7 = tpu.sem_alloc : memref<2x!tpu.dma_semaphore, #tpu.memory_space<semaphore_mem>>
      %run_scoped3A_8 = memref.alloca() : memref<12288xi32, #tpu.memory_space<vmem>>
      %run_scoped3A_9 = tpu.sem_alloc : memref<2x!tpu.dma_semaphore, #tpu.memory_space<semaphore_mem>>
      %run_scoped3A_10 = memref.alloca() : memref<12288xi32, #tpu.memory_space<vmem>>
      %run_scoped3A_11 = tpu.sem_alloc : memref<2x!tpu.dma_semaphore, #tpu.memory_space<semaphore_mem>>
      %run_scoped3A_12 = memref.alloca() : memref<12288xi32, #tpu.memory_space<vmem>>
      %run_scoped3A_13 = tpu.sem_alloc : memref<2x!tpu.dma_semaphore, #tpu.memory_space<semaphore_mem>>
      %run_scoped3A_14 = memref.alloca() : memref<12288xf32, #tpu.memory_space<vmem>>
      %run_scoped3A_15 = tpu.sem_alloc : memref<2x!tpu.dma_semaphore, #tpu.memory_space<semaphore_mem>>
      %add3A_16 = arith.constant 0 : i32
      %add3A_17 = arith.addi %add3A_16, %mul3A_6 : i32
      %select_n3A = arith.constant true
      %select_n3A_18 = arith.constant 0 : i32
      %select_n3A_19 = arith.constant -1 : i32
      %select_n3A_20 = arith.select %select_n3A, %select_n3A_19, %select_n3A_18 : i32
      %eq3A = arith.constant -1 : i32
      %eq3A_21 = arith.cmpi eq, %select_n3A_20, %eq3A : i32
      %select_n3A_22 = arith.constant 13 : i32
      %select_n3A_23 = arith.select %eq3A_21, %select_n3A_22, %select_n3A_20 : i32
      %add3A_24 = arith.addi %select_n3A_23, %mul3A_6 : i32
      %select_n3A_25 = arith.constant true
      %select_n3A_26 = arith.constant 0 : i32
      %select_n3A_27 = arith.constant 1 : i32
      %select_n3A_28 = arith.select %select_n3A_25, %select_n3A_27, %select_n3A_26 : i32
      %eq3A_29 = arith.constant 14 : i32
      %eq3A_30 = arith.cmpi eq, %select_n3A_28, %eq3A_29 : i32
      %select_n3A_31 = arith.constant 0 : i32
      %select_n3A_32 = arith.select %eq3A_30, %select_n3A_31, %select_n3A_28 : i32
      %add3A_33 = arith.addi %select_n3A_32, %mul3A_6 : i32
      %add3A_34 = arith.constant 1 : i32
      %add3A_35 = arith.addi %select_n3A_32, %add3A_34 : i32
      %select_n3A_36 = arith.constant true
      %select_n3A_37 = arith.select %select_n3A_36, %add3A_35, %select_n3A_32 : i32
      %eq3A_38 = arith.constant 14 : i32
      %eq3A_39 = arith.cmpi eq, %select_n3A_37, %eq3A_38 : i32
      %select_n3A_40 = arith.constant 0 : i32
      %select_n3A_41 = arith.select %eq3A_39, %select_n3A_40, %select_n3A_37 : i32
      %add3A_42 = arith.addi %select_n3A_41, %mul3A_6 : i32
      "tpu.trace_start"() <{level = 10 : i32, message = "ep_initialize_0"}> : () -> ()
      %rem3A = arith.constant 0 : i32
      %rem3A_43 = arith.constant 2 : i32
      %rem3A_44 = arith.remui %rem3A, %rem3A_43 : i32
      %mul3A_45 = arith.constant 6144 : i32
      %mul3A_46 = arith.muli %mul3A_45, %add3A_17 : i32
      %mul3A_47 = arith.constant 6144 : i32
      %mul3A_48 = arith.muli %rem3A_44, %mul3A_47 : i32
      %add3A_49 = arith.constant 0 : i32
      %add3A_50 = arith.addi %mul3A_48, %add3A_49 : i32
      %dma_start3A = tpu.memref_slice %run_scoped3A[%add3A_50] : memref<12288xi32, #tpu.memory_space<vmem>> -> memref<6144xi32, #tpu.memory_space<vmem>>
      %dma_start3A_51 = tpu.memref_slice %arg4[%mul3A_46] : memref<2752512xi32, #tpu.memory_space<hbm>> -> memref<6144xi32, #tpu.memory_space<hbm>>
      %dma_start3A_52 = tpu.memref_slice %run_scoped3A_7[%rem3A_44] : memref<2x!tpu.dma_semaphore, #tpu.memory_space<semaphore_mem>> -> memref<1x!tpu.dma_semaphore, #tpu.memory_space<semaphore_mem>>
      %dma_start3A_53 = tpu.memref_squeeze %dma_start3A_52 : memref<1x!tpu.dma_semaphore, #tpu.memory_space<semaphore_mem>> -> memref<!tpu.dma_semaphore, #tpu.memory_space<semaphore_mem>>
      %dma_start3A_54 = tpu.memref_slice %run_scoped3A[%add3A_50] : memref<12288xi32, #tpu.memory_space<vmem>> -> memref<6144xi32, #tpu.memory_space<vmem>>
      %dma_start3A_55 = tpu.memref_slice %arg4[%mul3A_46] : memref<2752512xi32, #tpu.memory_space<hbm>> -> memref<6144xi32, #tpu.memory_space<hbm>>
      tpu.enqueue_dma source(%dma_start3A_55 : memref<6144xi32, #tpu.memory_space<hbm>>) target(%dma_start3A_54 : memref<6144xi32, #tpu.memory_space<vmem>>) target_semaphore(%dma_start3A_53 : memref<!tpu.dma_semaphore, #tpu.memory_space<semaphore_mem>>)
      %add3A_56 = arith.constant 0 : i32
      %add3A_57 = arith.constant 1 : i32
      %add3A_58 = arith.addi %add3A_56, %add3A_57 : i32
      %select_n3A_59 = arith.constant true
      %select_n3A_60 = arith.constant 0 : i32
      %select_n3A_61 = arith.select %select_n3A_59, %add3A_58, %select_n3A_60 : i32
      %rem3A_62 = arith.constant 0 : i32
      %rem3A_63 = arith.constant 2 : i32
      %rem3A_64 = arith.remui %rem3A_62, %rem3A_63 : i32
      %mul3A_65 = arith.constant 6144 : i32
      %mul3A_66 = arith.muli %mul3A_65, %add3A_17 : i32
      %mul3A_67 = arith.constant 6144 : i32
      %mul3A_68 = arith.muli %rem3A_64, %mul3A_67 : i32
      %add3A_69 = arith.constant 0 : i32
      %add3A_70 = arith.addi %mul3A_68, %add3A_69 : i32
      %dma_start3A_71 = tpu.memref_slice %run_scoped3A_8[%add3A_70] : memref<12288xi32, #tpu.memory_space<vmem>> -> memref<6144xi32, #tpu.memory_space<vmem>>
      %dma_start3A_72 = tpu.memref_slice %arg5[%mul3A_66] : memref<2752512xi32, #tpu.memory_space<hbm>> -> memref<6144xi32, #tpu.memory_space<hbm>>
      %dma_start3A_73 = tpu.memref_slice %run_scoped3A_9[%rem3A_64] : memref<2x!tpu.dma_semaphore, #tpu.memory_space<semaphore_mem>> -> memref<1x!tpu.dma_semaphore, #tpu.memory_space<semaphore_mem>>
      %dma_start3A_74 = tpu.memref_squeeze %dma_start3A_73 : memref<1x!tpu.dma_semaphore, #tpu.memory_space<semaphore_mem>> -> memref<!tpu.dma_semaphore, #tpu.memory_space<semaphore_mem>>
      %dma_start3A_75 = tpu.memref_slice %run_scoped3A_8[%add3A_70] : memref<12288xi32, #tpu.memory_space<vmem>> -> memref<6144xi32, #tpu.memory_space<vmem>>
      %dma_start3A_76 = tpu.memref_slice %arg5[%mul3A_66] : memref<2752512xi32, #tpu.memory_space<hbm>> -> memref<6144xi32, #tpu.memory_space<hbm>>
      tpu.enqueue_dma source(%dma_start3A_76 : memref<6144xi32, #tpu.memory_space<hbm>>) target(%dma_start3A_75 : memref<6144xi32, #tpu.memory_space<vmem>>) target_semaphore(%dma_start3A_74 : memref<!tpu.dma_semaphore, #tpu.memory_space<semaphore_mem>>)
      %add3A_77 = arith.constant 0 : i32
      %add3A_78 = arith.constant 1 : i32
      %add3A_79 = arith.addi %add3A_77, %add3A_78 : i32
      %select_n3A_80 = arith.constant true
      %select_n3A_81 = arith.constant 0 : i32
      %select_n3A_82 = arith.select %select_n3A_80, %add3A_79, %select_n3A_81 : i32
      %rem3A_83 = arith.constant 0 : i32
      %rem3A_84 = arith.constant 2 : i32
      %rem3A_85 = arith.remui %rem3A_83, %rem3A_84 : i32
      %mul3A_86 = arith.constant 6144 : i32
      %mul3A_87 = arith.muli %mul3A_86, %add3A_17 : i32
      %mul3A_88 = arith.constant 6144 : i32
      %mul3A_89 = arith.muli %rem3A_85, %mul3A_88 : i32
      %add3A_90 = arith.constant 0 : i32
      %add3A_91 = arith.addi %mul3A_89, %add3A_90 : i32
      %dma_start3A_92 = tpu.memref_slice %run_scoped3A_10[%add3A_91] : memref<12288xi32, #tpu.memory_space<vmem>> -> memref<6144xi32, #tpu.memory_space<vmem>>
      %dma_start3A_93 = tpu.memref_slice %arg6[%mul3A_87] : memref<2752512xi32, #tpu.memory_space<hbm>> -> memref<6144xi32, #tpu.memory_space<hbm>>
      %dma_start3A_94 = tpu.memref_slice %run_scoped3A_11[%rem3A_85] : memref<2x!tpu.dma_semaphore, #tpu.memory_space<semaphore_mem>> -> memref<1x!tpu.dma_semaphore, #tpu.memory_space<semaphore_mem>>
      %dma_start3A_95 = tpu.memref_squeeze %dma_start3A_94 : memref<1x!tpu.dma_semaphore, #tpu.memory_space<semaphore_mem>> -> memref<!tpu.dma_semaphore, #tpu.memory_space<semaphore_mem>>
      %dma_start3A_96 = tpu.memref_slice %run_scoped3A_10[%add3A_91] : memref<12288xi32, #tpu.memory_space<vmem>> -> memref<6144xi32, #tpu.memory_space<vmem>>
      %dma_start3A_97 = tpu.memref_slice %arg6[%mul3A_87] : memref<2752512xi32, #tpu.memory_space<hbm>> -> memref<6144xi32, #tpu.memory_space<hbm>>
      tpu.enqueue_dma source(%dma_start3A_97 : memref<6144xi32, #tpu.memory_space<hbm>>) target(%dma_start3A_96 : memref<6144xi32, #tpu.memory_space<vmem>>) target_semaphore(%dma_start3A_95 : memref<!tpu.dma_semaphore, #tpu.memory_space<semaphore_mem>>)
      %add3A_98 = arith.constant 0 : i32
      %add3A_99 = arith.constant 1 : i32
      %add3A_100 = arith.addi %add3A_98, %add3A_99 : i32
      %select_n3A_101 = arith.constant true
      %select_n3A_102 = arith.constant 0 : i32
      %select_n3A_103 = arith.select %select_n3A_101, %add3A_100, %select_n3A_102 : i32
      %rem3A_104 = arith.constant 0 : i32
      %rem3A_105 = arith.constant 2 : i32
      %rem3A_106 = arith.remui %rem3A_104, %rem3A_105 : i32
      %mul3A_107 = arith.constant 6144 : i32
      %mul3A_108 = arith.muli %mul3A_107, %add3A_17 : i32
      %mul3A_109 = arith.constant 6144 : i32
      %mul3A_110 = arith.muli %rem3A_106, %mul3A_109 : i32
      %add3A_111 = arith.constant 0 : i32
      %add3A_112 = arith.addi %mul3A_110, %add3A_111 : i32
      %dma_start3A_113 = tpu.memref_slice %run_scoped3A_12[%add3A_112] : memref<12288xi32, #tpu.memory_space<vmem>> -> memref<6144xi32, #tpu.memory_space<vmem>>
      %dma_start3A_114 = tpu.memref_slice %arg7[%mul3A_108] : memref<2752512xi32, #tpu.memory_space<hbm>> -> memref<6144xi32, #tpu.memory_space<hbm>>
      %dma_start3A_115 = tpu.memref_slice %run_scoped3A_13[%rem3A_106] : memref<2x!tpu.dma_semaphore, #tpu.memory_space<semaphore_mem>> -> memref<1x!tpu.dma_semaphore, #tpu.memory_space<semaphore_mem>>
      %dma_start3A_116 = tpu.memref_squeeze %dma_start3A_115 : memref<1x!tpu.dma_semaphore, #tpu.memory_space<semaphore_mem>> -> memref<!tpu.dma_semaphore, #tpu.memory_space<semaphore_mem>>
      %dma_start3A_117 = tpu.memref_slice %run_scoped3A_12[%add3A_112] : memref<12288xi32, #tpu.memory_space<vmem>> -> memref<6144xi32, #tpu.memory_space<vmem>>
      %dma_start3A_118 = tpu.memref_slice %arg7[%mul3A_108] : memref<2752512xi32, #tpu.memory_space<hbm>> -> memref<6144xi32, #tpu.memory_space<hbm>>
      tpu.enqueue_dma source(%dma_start3A_118 : memref<6144xi32, #tpu.memory_space<hbm>>) target(%dma_start3A_117 : memref<6144xi32, #tpu.memory_space<vmem>>) target_semaphore(%dma_start3A_116 : memref<!tpu.dma_semaphore, #tpu.memory_space<semaphore_mem>>)
      %add3A_119 = arith.constant 0 : i32
      %add3A_120 = arith.constant 1 : i32
      %add3A_121 = arith.addi %add3A_119, %add3A_120 : i32
      %select_n3A_122 = arith.constant true
      %select_n3A_123 = arith.constant 0 : i32
      %select_n3A_124 = arith.select %select_n3A_122, %add3A_121, %select_n3A_123 : i32
      "tpu.trace_stop"() : () -> ()
      %scan3A = arith.constant 0 : i32
      %scan3A_125 = arith.constant 0 : i32
      %scan3A_126 = arith.constant 0 : i32
      %scan3A_127 = arith.constant 0 : i32
      %scan3A_128 = arith.constant 0 : i32
      %scan3A_129 = arith.constant 0 : i32
      %scan3A_130 = arith.constant 0 : i32
      %scan3A_131 = arith.constant 0 : i32
      %scan3A_132 = arith.constant 14 : i32
      %scan3A_133 = arith.addi %scan3A_131, %scan3A_132 : i32
      %scan3A_134 = arith.constant 1 : i32
      %scan3A_135:11 = scf.for %scan3A_185 = %scan3A_131 to %scan3A_133 step %scan3A_134 iter_args(%scan3A_186 = %select_n3A_61, %scan3A_187 = %scan3A, %scan3A_188 = %select_n3A_82, %scan3A_189 = %scan3A_125, %scan3A_190 = %select_n3A_103, %scan3A_191 = %scan3A_126, %scan3A_192 = %select_n3A_124, %scan3A_193 = %scan3A_127, %scan3A_194 = %scan3A_128, %scan3A_195 = %scan3A_129, %scan3A_196 = %scan3A_130) -> (i32, i32, i32, i32, i32, i32, i32, i32, i32, i32, i32)  : i32 {
        %eq3A_197 = arith.constant 0 : i32
        %eq3A_198 = arith.cmpi eq, %scan3A_185, %eq3A_197 : i32
        %eq3A_199 = arith.constant 13 : i32
        %eq3A_200 = arith.cmpi eq, %scan3A_185, %eq3A_199 : i32
        %add3A_201 = arith.addi %scan3A_196, %mul3A_6 : i32
        %sub3A_202 = arith.constant 1 : i32
        %sub3A_203 = arith.subi %scan3A_196, %sub3A_202 : i32
        %select_n3A_204 = arith.constant true
        %select_n3A_205 = arith.select %select_n3A_204, %sub3A_203, %scan3A_196 : i32
        %eq3A_206 = arith.constant -1 : i32
        %eq3A_207 = arith.cmpi eq, %select_n3A_205, %eq3A_206 : i32
        %select_n3A_208 = arith.constant 13 : i32
        %select_n3A_209 = arith.select %eq3A_207, %select_n3A_208, %select_n3A_205 : i32
        %add3A_210 = arith.addi %select_n3A_209, %mul3A_6 : i32
        %add3A_211 = arith.constant 1 : i32
        %add3A_212 = arith.addi %scan3A_196, %add3A_211 : i32
        %select_n3A_213 = arith.constant true
        %select_n3A_214 = arith.select %select_n3A_213, %add3A_212, %scan3A_196 : i32
        %eq3A_215 = arith.constant 14 : i32
        %eq3A_216 = arith.cmpi eq, %select_n3A_214, %eq3A_215 : i32
        %select_n3A_217 = arith.constant 0 : i32
        %select_n3A_218 = arith.select %eq3A_216, %select_n3A_217, %select_n3A_214 : i32
        %add3A_219 = arith.addi %select_n3A_218, %mul3A_6 : i32
        %add3A_220 = arith.constant 1 : i32
        %add3A_221 = arith.addi %select_n3A_218, %add3A_220 : i32
        %select_n3A_222 = arith.constant true
        %select_n3A_223 = arith.select %select_n3A_222, %add3A_221, %select_n3A_218 : i32
        %eq3A_224 = arith.constant 14 : i32
        %eq3A_225 = arith.cmpi eq, %select_n3A_223, %eq3A_224 : i32
        %select_n3A_226 = arith.constant 0 : i32
        %select_n3A_227 = arith.select %eq3A_225, %select_n3A_226, %select_n3A_223 : i32
        %add3A_228 = arith.addi %select_n3A_227, %mul3A_6 : i32
        %ne3A = arith.cmpi ne, %add3A_201, %add3A_219 : i32
        %or3A = arith.constant false
        %or3A_229 = arith.ori %or3A, %ne3A : i1
        %ge3A = arith.constant 13 : i32
        %ge3A_230 = arith.cmpi sge, %scan3A_185, %ge3A : i32
        %not3A = arith.constant true
        %not3A_231 = arith.xori %ge3A_230, %not3A : i1
        %and3A = arith.andi %or3A_229, %not3A_231 : i1
        %convert_element_type3A = arith.extui %and3A : i1 to i32
        %cond3A = arith.constant 0 : i32
        %cond3A_232 = arith.cmpi ne, %convert_element_type3A, %cond3A : i32
        scf.if %cond3A_232 {
          "tpu.trace_start"() <{level = 10 : i32, message = "ep_copy_in"}> : () -> ()
          %rem3A_494 = arith.constant 2 : i32
          %rem3A_495 = arith.remui %scan3A_186, %rem3A_494 : i32
          %mul3A_496 = arith.constant 6144 : i32
          %mul3A_497 = arith.muli %mul3A_496, %add3A_219 : i32
          %mul3A_498 = arith.constant 6144 : i32
          %mul3A_499 = arith.muli %rem3A_495, %mul3A_498 : i32
          %add3A_500 = arith.constant 0 : i32
          %add3A_501 = arith.addi %mul3A_499, %add3A_500 : i32
          %dma_start3A_502 = tpu.memref_slice %run_scoped3A[%add3A_501] : memref<12288xi32, #tpu.memory_space<vmem>> -> memref<6144xi32, #tpu.memory_space<vmem>>
          %dma_start3A_503 = tpu.memref_slice %arg4[%mul3A_497] : memref<2752512xi32, #tpu.memory_space<hbm>> -> memref<6144xi32, #tpu.memory_space<hbm>>
          %dma_start3A_504 = tpu.memref_slice %run_scoped3A_7[%rem3A_495] : memref<2x!tpu.dma_semaphore, #tpu.memory_space<semaphore_mem>> -> memref<1x!tpu.dma_semaphore, #tpu.memory_space<semaphore_mem>>
          %dma_start3A_505 = tpu.memref_squeeze %dma_start3A_504 : memref<1x!tpu.dma_semaphore, #tpu.memory_space<semaphore_mem>> -> memref<!tpu.dma_semaphore, #tpu.memory_space<semaphore_mem>>
          %dma_start3A_506 = tpu.memref_slice %run_scoped3A[%add3A_501] : memref<12288xi32, #tpu.memory_space<vmem>> -> memref<6144xi32, #tpu.memory_space<vmem>>
          %dma_start3A_507 = tpu.memref_slice %arg4[%mul3A_497] : memref<2752512xi32, #tpu.memory_space<hbm>> -> memref<6144xi32, #tpu.memory_space<hbm>>
          tpu.enqueue_dma source(%dma_start3A_507 : memref<6144xi32, #tpu.memory_space<hbm>>) target(%dma_start3A_506 : memref<6144xi32, #tpu.memory_space<vmem>>) target_semaphore(%dma_start3A_505 : memref<!tpu.dma_semaphore, #tpu.memory_space<semaphore_mem>>)
          "tpu.trace_stop"() : () -> ()
        } else {
        }
        %and3A_233 = arith.constant true
        %and3A_234 = arith.andi %and3A, %and3A_233 : i1
        %add3A_235 = arith.constant 1 : i32
        %add3A_236 = arith.addi %scan3A_186, %add3A_235 : i32
        %select_n3A_237 = arith.select %and3A_234, %add3A_236, %scan3A_186 : i32
        %ne3A_238 = arith.cmpi ne, %add3A_201, %add3A_219 : i32
        %or3A_239 = arith.constant false
        %or3A_240 = arith.ori %or3A_239, %ne3A_238 : i1
        %ge3A_241 = arith.constant 13 : i32
        %ge3A_242 = arith.cmpi sge, %scan3A_185, %ge3A_241 : i32
        %not3A_243 = arith.constant true
        %not3A_244 = arith.xori %ge3A_242, %not3A_243 : i1
        %and3A_245 = arith.andi %or3A_240, %not3A_244 : i1
        %convert_element_type3A_246 = arith.extui %and3A_245 : i1 to i32
        %cond3A_247 = arith.constant 0 : i32
        %cond3A_248 = arith.cmpi ne, %convert_element_type3A_246, %cond3A_247 : i32
        scf.if %cond3A_248 {
          "tpu.trace_start"() <{level = 10 : i32, message = "ep_copy_in"}> : () -> ()
          %rem3A_494 = arith.constant 2 : i32
          %rem3A_495 = arith.remui %scan3A_188, %rem3A_494 : i32
          %mul3A_496 = arith.constant 6144 : i32
          %mul3A_497 = arith.muli %mul3A_496, %add3A_219 : i32
          %mul3A_498 = arith.constant 6144 : i32
          %mul3A_499 = arith.muli %rem3A_495, %mul3A_498 : i32
          %add3A_500 = arith.constant 0 : i32
          %add3A_501 = arith.addi %mul3A_499, %add3A_500 : i32
          %dma_start3A_502 = tpu.memref_slice %run_scoped3A_8[%add3A_501] : memref<12288xi32, #tpu.memory_space<vmem>> -> memref<6144xi32, #tpu.memory_space<vmem>>
          %dma_start3A_503 = tpu.memref_slice %arg5[%mul3A_497] : memref<2752512xi32, #tpu.memory_space<hbm>> -> memref<6144xi32, #tpu.memory_space<hbm>>
          %dma_start3A_504 = tpu.memref_slice %run_scoped3A_9[%rem3A_495] : memref<2x!tpu.dma_semaphore, #tpu.memory_space<semaphore_mem>> -> memref<1x!tpu.dma_semaphore, #tpu.memory_space<semaphore_mem>>
          %dma_start3A_505 = tpu.memref_squeeze %dma_start3A_504 : memref<1x!tpu.dma_semaphore, #tpu.memory_space<semaphore_mem>> -> memref<!tpu.dma_semaphore, #tpu.memory_space<semaphore_mem>>
          %dma_start3A_506 = tpu.memref_slice %run_scoped3A_8[%add3A_501] : memref<12288xi32, #tpu.memory_space<vmem>> -> memref<6144xi32, #tpu.memory_space<vmem>>
          %dma_start3A_507 = tpu.memref_slice %arg5[%mul3A_497] : memref<2752512xi32, #tpu.memory_space<hbm>> -> memref<6144xi32, #tpu.memory_space<hbm>>
          tpu.enqueue_dma source(%dma_start3A_507 : memref<6144xi32, #tpu.memory_space<hbm>>) target(%dma_start3A_506 : memref<6144xi32, #tpu.memory_space<vmem>>) target_semaphore(%dma_start3A_505 : memref<!tpu.dma_semaphore, #tpu.memory_space<semaphore_mem>>)
          "tpu.trace_stop"() : () -> ()
        } else {
        }
        %and3A_249 = arith.constant true
        %and3A_250 = arith.andi %and3A_245, %and3A_249 : i1
        %add3A_251 = arith.constant 1 : i32
        %add3A_252 = arith.addi %scan3A_188, %add3A_251 : i32
        %select_n3A_253 = arith.select %and3A_250, %add3A_252, %scan3A_188 : i32
        %ne3A_254 = arith.cmpi ne, %add3A_201, %add3A_219 : i32
        %or3A_255 = arith.constant false
        %or3A_256 = arith.ori %or3A_255, %ne3A_254 : i1
        %ge3A_257 = arith.constant 13 : i32
        %ge3A_258 = arith.cmpi sge, %scan3A_185, %ge3A_257 : i32
        %not3A_259 = arith.constant true
        %not3A_260 = arith.xori %ge3A_258, %not3A_259 : i1
        %and3A_261 = arith.andi %or3A_256, %not3A_260 : i1
        %convert_element_type3A_262 = arith.extui %and3A_261 : i1 to i32
        %cond3A_263 = arith.constant 0 : i32
        %cond3A_264 = arith.cmpi ne, %convert_element_type3A_262, %cond3A_263 : i32
        scf.if %cond3A_264 {
          "tpu.trace_start"() <{level = 10 : i32, message = "ep_copy_in"}> : () -> ()
          %rem3A_494 = arith.constant 2 : i32
          %rem3A_495 = arith.remui %scan3A_190, %rem3A_494 : i32
          %mul3A_496 = arith.constant 6144 : i32
          %mul3A_497 = arith.muli %mul3A_496, %add3A_219 : i32
          %mul3A_498 = arith.constant 6144 : i32
          %mul3A_499 = arith.muli %rem3A_495, %mul3A_498 : i32
          %add3A_500 = arith.constant 0 : i32
          %add3A_501 = arith.addi %mul3A_499, %add3A_500 : i32
          %dma_start3A_502 = tpu.memref_slice %run_scoped3A_10[%add3A_501] : memref<12288xi32, #tpu.memory_space<vmem>> -> memref<6144xi32, #tpu.memory_space<vmem>>
          %dma_start3A_503 = tpu.memref_slice %arg6[%mul3A_497] : memref<2752512xi32, #tpu.memory_space<hbm>> -> memref<6144xi32, #tpu.memory_space<hbm>>
          %dma_start3A_504 = tpu.memref_slice %run_scoped3A_11[%rem3A_495] : memref<2x!tpu.dma_semaphore, #tpu.memory_space<semaphore_mem>> -> memref<1x!tpu.dma_semaphore, #tpu.memory_space<semaphore_mem>>
          %dma_start3A_505 = tpu.memref_squeeze %dma_start3A_504 : memref<1x!tpu.dma_semaphore, #tpu.memory_space<semaphore_mem>> -> memref<!tpu.dma_semaphore, #tpu.memory_space<semaphore_mem>>
          %dma_start3A_506 = tpu.memref_slice %run_scoped3A_10[%add3A_501] : memref<12288xi32, #tpu.memory_space<vmem>> -> memref<6144xi32, #tpu.memory_space<vmem>>
          %dma_start3A_507 = tpu.memref_slice %arg6[%mul3A_497] : memref<2752512xi32, #tpu.memory_space<hbm>> -> memref<6144xi32, #tpu.memory_space<hbm>>
          tpu.enqueue_dma source(%dma_start3A_507 : memref<6144xi32, #tpu.memory_space<hbm>>) target(%dma_start3A_506 : memref<6144xi32, #tpu.memory_space<vmem>>) target_semaphore(%dma_start3A_505 : memref<!tpu.dma_semaphore, #tpu.memory_space<semaphore_mem>>)
          "tpu.trace_stop"() : () -> ()
        } else {
        }
        %and3A_265 = arith.constant true
        %and3A_266 = arith.andi %and3A_261, %and3A_265 : i1
        %add3A_267 = arith.constant 1 : i32
        %add3A_268 = arith.addi %scan3A_190, %add3A_267 : i32
        %select_n3A_269 = arith.select %and3A_266, %add3A_268, %scan3A_190 : i32
        %ne3A_270 = arith.cmpi ne, %add3A_201, %add3A_219 : i32
        %or3A_271 = arith.constant false
        %or3A_272 = arith.ori %or3A_271, %ne3A_270 : i1
        %ge3A_273 = arith.constant 13 : i32
        %ge3A_274 = arith.cmpi sge, %scan3A_185, %ge3A_273 : i32
        %not3A_275 = arith.constant true
        %not3A_276 = arith.xori %ge3A_274, %not3A_275 : i1
        %and3A_277 = arith.andi %or3A_272, %not3A_276 : i1
        %convert_element_type3A_278 = arith.extui %and3A_277 : i1 to i32
        %cond3A_279 = arith.constant 0 : i32
        %cond3A_280 = arith.cmpi ne, %convert_element_type3A_278, %cond3A_279 : i32
        scf.if %cond3A_280 {
          "tpu.trace_start"() <{level = 10 : i32, message = "ep_copy_in"}> : () -> ()
          %rem3A_494 = arith.constant 2 : i32
          %rem3A_495 = arith.remui %scan3A_192, %rem3A_494 : i32
          %mul3A_496 = arith.constant 6144 : i32
          %mul3A_497 = arith.muli %mul3A_496, %add3A_219 : i32
          %mul3A_498 = arith.constant 6144 : i32
          %mul3A_499 = arith.muli %rem3A_495, %mul3A_498 : i32
          %add3A_500 = arith.constant 0 : i32
          %add3A_501 = arith.addi %mul3A_499, %add3A_500 : i32
          %dma_start3A_502 = tpu.memref_slice %run_scoped3A_12[%add3A_501] : memref<12288xi32, #tpu.memory_space<vmem>> -> memref<6144xi32, #tpu.memory_space<vmem>>
          %dma_start3A_503 = tpu.memref_slice %arg7[%mul3A_497] : memref<2752512xi32, #tpu.memory_space<hbm>> -> memref<6144xi32, #tpu.memory_space<hbm>>
          %dma_start3A_504 = tpu.memref_slice %run_scoped3A_13[%rem3A_495] : memref<2x!tpu.dma_semaphore, #tpu.memory_space<semaphore_mem>> -> memref<1x!tpu.dma_semaphore, #tpu.memory_space<semaphore_mem>>
          %dma_start3A_505 = tpu.memref_squeeze %dma_start3A_504 : memref<1x!tpu.dma_semaphore, #tpu.memory_space<semaphore_mem>> -> memref<!tpu.dma_semaphore, #tpu.memory_space<semaphore_mem>>
          %dma_start3A_506 = tpu.memref_slice %run_scoped3A_12[%add3A_501] : memref<12288xi32, #tpu.memory_space<vmem>> -> memref<6144xi32, #tpu.memory_space<vmem>>
          %dma_start3A_507 = tpu.memref_slice %arg7[%mul3A_497] : memref<2752512xi32, #tpu.memory_space<hbm>> -> memref<6144xi32, #tpu.memory_space<hbm>>
          tpu.enqueue_dma source(%dma_start3A_507 : memref<6144xi32, #tpu.memory_space<hbm>>) target(%dma_start3A_506 : memref<6144xi32, #tpu.memory_space<vmem>>) target_semaphore(%dma_start3A_505 : memref<!tpu.dma_semaphore, #tpu.memory_space<semaphore_mem>>)
          "tpu.trace_stop"() : () -> ()
        } else {
        }
        %and3A_281 = arith.constant true
        %and3A_282 = arith.andi %and3A_277, %and3A_281 : i1
        %add3A_283 = arith.constant 1 : i32
        %add3A_284 = arith.addi %scan3A_192, %add3A_283 : i32
        %select_n3A_285 = arith.select %and3A_282, %add3A_284, %scan3A_192 : i32
        %ne3A_286 = arith.cmpi ne, %add3A_201, %add3A_219 : i32
        %or3A_287 = arith.constant false
        %or3A_288 = arith.ori %or3A_287, %ne3A_286 : i1
        %ge3A_289 = arith.constant 13 : i32
        %ge3A_290 = arith.cmpi sge, %scan3A_185, %ge3A_289 : i32
        %not3A_291 = arith.constant true
        %not3A_292 = arith.xori %ge3A_290, %not3A_291 : i1
        %and3A_293 = arith.andi %or3A_288, %not3A_292 : i1
        %ne3A_294 = arith.cmpi ne, %add3A_201, %add3A_210 : i32
        %or3A_295 = arith.constant false
        %or3A_296 = arith.ori %or3A_295, %ne3A_294 : i1
        %or3A_297 = arith.ori %or3A_296, %eq3A_198 : i1
        %convert_element_type3A_298 = arith.extui %or3A_297 : i1 to i32
        %cond3A_299 = arith.constant 0 : i32
        %cond3A_300 = arith.cmpi ne, %convert_element_type3A_298, %cond3A_299 : i32
        scf.if %cond3A_300 {
          "tpu.trace_start"() <{level = 10 : i32, message = "ep_wait_in"}> : () -> ()
          %mul3A_494 = arith.constant 6144 : i32
          %mul3A_495 = arith.muli %mul3A_494, %add3A_201 : i32
          %rem3A_496 = arith.constant 2 : i32
          %rem3A_497 = arith.remui %scan3A_187, %rem3A_496 : i32
          %mul3A_498 = arith.constant 6144 : i32
          %mul3A_499 = arith.muli %rem3A_497, %mul3A_498 : i32
          %add3A_500 = arith.constant 0 : i32
          %add3A_501 = arith.addi %mul3A_499, %add3A_500 : i32
          %dma_wait3A_502 = tpu.memref_slice %run_scoped3A[%add3A_501] : memref<12288xi32, #tpu.memory_space<vmem>> -> memref<6144xi32, #tpu.memory_space<vmem>>
          %dma_wait3A_503 = tpu.memref_slice %arg4[%mul3A_495] : memref<2752512xi32, #tpu.memory_space<hbm>> -> memref<6144xi32, #tpu.memory_space<hbm>>
          %dma_wait3A_504 = tpu.memref_slice %run_scoped3A_7[%rem3A_497] : memref<2x!tpu.dma_semaphore, #tpu.memory_space<semaphore_mem>> -> memref<1x!tpu.dma_semaphore, #tpu.memory_space<semaphore_mem>>
          %dma_wait3A_505 = tpu.memref_squeeze %dma_wait3A_504 : memref<1x!tpu.dma_semaphore, #tpu.memory_space<semaphore_mem>> -> memref<!tpu.dma_semaphore, #tpu.memory_space<semaphore_mem>>
          %dma_wait3A_506 = tpu.memref_slice %run_scoped3A[%add3A_501] : memref<12288xi32, #tpu.memory_space<vmem>> -> memref<6144xi32, #tpu.memory_space<vmem>>
          %dma_wait3A_507 = tpu.memref_slice %arg4[%mul3A_495] : memref<2752512xi32, #tpu.memory_space<hbm>> -> memref<6144xi32, #tpu.memory_space<hbm>>
          tpu.wait_dma2 semaphore(%dma_wait3A_505 : memref<!tpu.dma_semaphore, #tpu.memory_space<semaphore_mem>>) src(%dma_wait3A_507 : memref<6144xi32, #tpu.memory_space<hbm>>) dst(%dma_wait3A_506 : memref<6144xi32, #tpu.memory_space<vmem>>)
          "tpu.trace_stop"() : () -> ()
        } else {
        }
        %ne3A_301 = arith.cmpi ne, %add3A_201, %add3A_210 : i32
        %or3A_302 = arith.constant false
        %or3A_303 = arith.ori %or3A_302, %ne3A_301 : i1
        %or3A_304 = arith.ori %or3A_303, %eq3A_198 : i1
        %convert_element_type3A_305 = arith.extui %or3A_304 : i1 to i32
        %cond3A_306 = arith.constant 0 : i32
        %cond3A_307 = arith.cmpi ne, %convert_element_type3A_305, %cond3A_306 : i32
        scf.if %cond3A_307 {
          "tpu.trace_start"() <{level = 10 : i32, message = "ep_wait_in"}> : () -> ()
          %mul3A_494 = arith.constant 6144 : i32
          %mul3A_495 = arith.muli %mul3A_494, %add3A_201 : i32
          %rem3A_496 = arith.constant 2 : i32
          %rem3A_497 = arith.remui %scan3A_189, %rem3A_496 : i32
          %mul3A_498 = arith.constant 6144 : i32
          %mul3A_499 = arith.muli %rem3A_497, %mul3A_498 : i32
          %add3A_500 = arith.constant 0 : i32
          %add3A_501 = arith.addi %mul3A_499, %add3A_500 : i32
          %dma_wait3A_502 = tpu.memref_slice %run_scoped3A_8[%add3A_501] : memref<12288xi32, #tpu.memory_space<vmem>> -> memref<6144xi32, #tpu.memory_space<vmem>>
          %dma_wait3A_503 = tpu.memref_slice %arg5[%mul3A_495] : memref<2752512xi32, #tpu.memory_space<hbm>> -> memref<6144xi32, #tpu.memory_space<hbm>>
          %dma_wait3A_504 = tpu.memref_slice %run_scoped3A_9[%rem3A_497] : memref<2x!tpu.dma_semaphore, #tpu.memory_space<semaphore_mem>> -> memref<1x!tpu.dma_semaphore, #tpu.memory_space<semaphore_mem>>
          %dma_wait3A_505 = tpu.memref_squeeze %dma_wait3A_504 : memref<1x!tpu.dma_semaphore, #tpu.memory_space<semaphore_mem>> -> memref<!tpu.dma_semaphore, #tpu.memory_space<semaphore_mem>>
          %dma_wait3A_506 = tpu.memref_slice %run_scoped3A_8[%add3A_501] : memref<12288xi32, #tpu.memory_space<vmem>> -> memref<6144xi32, #tpu.memory_space<vmem>>
          %dma_wait3A_507 = tpu.memref_slice %arg5[%mul3A_495] : memref<2752512xi32, #tpu.memory_space<hbm>> -> memref<6144xi32, #tpu.memory_space<hbm>>
          tpu.wait_dma2 semaphore(%dma_wait3A_505 : memref<!tpu.dma_semaphore, #tpu.memory_space<semaphore_mem>>) src(%dma_wait3A_507 : memref<6144xi32, #tpu.memory_space<hbm>>) dst(%dma_wait3A_506 : memref<6144xi32, #tpu.memory_space<vmem>>)
          "tpu.trace_stop"() : () -> ()
        } else {
        }
        %ne3A_308 = arith.cmpi ne, %add3A_201, %add3A_210 : i32
        %or3A_309 = arith.constant false
        %or3A_310 = arith.ori %or3A_309, %ne3A_308 : i1
        %or3A_311 = arith.ori %or3A_310, %eq3A_198 : i1
        %convert_element_type3A_312 = arith.extui %or3A_311 : i1 to i32
        %cond3A_313 = arith.constant 0 : i32
        %cond3A_314 = arith.cmpi ne, %convert_element_type3A_312, %cond3A_313 : i32
        scf.if %cond3A_314 {
          "tpu.trace_start"() <{level = 10 : i32, message = "ep_wait_in"}> : () -> ()
          %mul3A_494 = arith.constant 6144 : i32
          %mul3A_495 = arith.muli %mul3A_494, %add3A_201 : i32
          %rem3A_496 = arith.constant 2 : i32
          %rem3A_497 = arith.remui %scan3A_191, %rem3A_496 : i32
          %mul3A_498 = arith.constant 6144 : i32
          %mul3A_499 = arith.muli %rem3A_497, %mul3A_498 : i32
          %add3A_500 = arith.constant 0 : i32
          %add3A_501 = arith.addi %mul3A_499, %add3A_500 : i32
          %dma_wait3A_502 = tpu.memref_slice %run_scoped3A_10[%add3A_501] : memref<12288xi32, #tpu.memory_space<vmem>> -> memref<6144xi32, #tpu.memory_space<vmem>>
          %dma_wait3A_503 = tpu.memref_slice %arg6[%mul3A_495] : memref<2752512xi32, #tpu.memory_space<hbm>> -> memref<6144xi32, #tpu.memory_space<hbm>>
          %dma_wait3A_504 = tpu.memref_slice %run_scoped3A_11[%rem3A_497] : memref<2x!tpu.dma_semaphore, #tpu.memory_space<semaphore_mem>> -> memref<1x!tpu.dma_semaphore, #tpu.memory_space<semaphore_mem>>
          %dma_wait3A_505 = tpu.memref_squeeze %dma_wait3A_504 : memref<1x!tpu.dma_semaphore, #tpu.memory_space<semaphore_mem>> -> memref<!tpu.dma_semaphore, #tpu.memory_space<semaphore_mem>>
          %dma_wait3A_506 = tpu.memref_slice %run_scoped3A_10[%add3A_501] : memref<12288xi32, #tpu.memory_space<vmem>> -> memref<6144xi32, #tpu.memory_space<vmem>>
          %dma_wait3A_507 = tpu.memref_slice %arg6[%mul3A_495] : memref<2752512xi32, #tpu.memory_space<hbm>> -> memref<6144xi32, #tpu.memory_space<hbm>>
          tpu.wait_dma2 semaphore(%dma_wait3A_505 : memref<!tpu.dma_semaphore, #tpu.memory_space<semaphore_mem>>) src(%dma_wait3A_507 : memref<6144xi32, #tpu.memory_space<hbm>>) dst(%dma_wait3A_506 : memref<6144xi32, #tpu.memory_space<vmem>>)
          "tpu.trace_stop"() : () -> ()
        } else {
        }
        %ne3A_315 = arith.cmpi ne, %add3A_201, %add3A_210 : i32
        %or3A_316 = arith.constant false
        %or3A_317 = arith.ori %or3A_316, %ne3A_315 : i1
        %or3A_318 = arith.ori %or3A_317, %eq3A_198 : i1
        %convert_element_type3A_319 = arith.extui %or3A_318 : i1 to i32
        %cond3A_320 = arith.constant 0 : i32
        %cond3A_321 = arith.cmpi ne, %convert_element_type3A_319, %cond3A_320 : i32
        scf.if %cond3A_321 {
          "tpu.trace_start"() <{level = 10 : i32, message = "ep_wait_in"}> : () -> ()
          %mul3A_494 = arith.constant 6144 : i32
          %mul3A_495 = arith.muli %mul3A_494, %add3A_201 : i32
          %rem3A_496 = arith.constant 2 : i32
          %rem3A_497 = arith.remui %scan3A_193, %rem3A_496 : i32
          %mul3A_498 = arith.constant 6144 : i32
          %mul3A_499 = arith.muli %rem3A_497, %mul3A_498 : i32
          %add3A_500 = arith.constant 0 : i32
          %add3A_501 = arith.addi %mul3A_499, %add3A_500 : i32
          %dma_wait3A_502 = tpu.memref_slice %run_scoped3A_12[%add3A_501] : memref<12288xi32, #tpu.memory_space<vmem>> -> memref<6144xi32, #tpu.memory_space<vmem>>
          %dma_wait3A_503 = tpu.memref_slice %arg7[%mul3A_495] : memref<2752512xi32, #tpu.memory_space<hbm>> -> memref<6144xi32, #tpu.memory_space<hbm>>
          %dma_wait3A_504 = tpu.memref_slice %run_scoped3A_13[%rem3A_497] : memref<2x!tpu.dma_semaphore, #tpu.memory_space<semaphore_mem>> -> memref<1x!tpu.dma_semaphore, #tpu.memory_space<semaphore_mem>>
          %dma_wait3A_505 = tpu.memref_squeeze %dma_wait3A_504 : memref<1x!tpu.dma_semaphore, #tpu.memory_space<semaphore_mem>> -> memref<!tpu.dma_semaphore, #tpu.memory_space<semaphore_mem>>
          %dma_wait3A_506 = tpu.memref_slice %run_scoped3A_12[%add3A_501] : memref<12288xi32, #tpu.memory_space<vmem>> -> memref<6144xi32, #tpu.memory_space<vmem>>
          %dma_wait3A_507 = tpu.memref_slice %arg7[%mul3A_495] : memref<2752512xi32, #tpu.memory_space<hbm>> -> memref<6144xi32, #tpu.memory_space<hbm>>
          tpu.wait_dma2 semaphore(%dma_wait3A_505 : memref<!tpu.dma_semaphore, #tpu.memory_space<semaphore_mem>>) src(%dma_wait3A_507 : memref<6144xi32, #tpu.memory_space<hbm>>) dst(%dma_wait3A_506 : memref<6144xi32, #tpu.memory_space<vmem>>)
          "tpu.trace_stop"() : () -> ()
        } else {
        }
        %ne3A_322 = arith.cmpi ne, %add3A_201, %add3A_210 : i32
        %or3A_323 = arith.constant false
        %or3A_324 = arith.ori %or3A_323, %ne3A_322 : i1
        %or3A_325 = arith.ori %or3A_324, %eq3A_198 : i1
        %convert_element_type3A_326 = arith.extui %or3A_325 : i1 to i32
        %cond3A_327 = arith.constant 0 : i32
        %cond3A_328 = arith.cmpi ne, %convert_element_type3A_326, %cond3A_327 : i32
        scf.if %cond3A_328 {
        } else {
        }
        %rem3A_329 = arith.constant 2 : i32
        %rem3A_330 = arith.remui %scan3A_187, %rem3A_329 : i32
        %mul3A_331 = arith.constant 6144 : i32
        %mul3A_332 = arith.muli %rem3A_330, %mul3A_331 : i32
        %rem3A_333 = arith.constant 2 : i32
        %rem3A_334 = arith.remui %scan3A_189, %rem3A_333 : i32
        %mul3A_335 = arith.constant 6144 : i32
        %mul3A_336 = arith.muli %rem3A_334, %mul3A_335 : i32
        %rem3A_337 = arith.constant 2 : i32
        %rem3A_338 = arith.remui %scan3A_191, %rem3A_337 : i32
        %mul3A_339 = arith.constant 6144 : i32
        %mul3A_340 = arith.muli %rem3A_338, %mul3A_339 : i32
        %rem3A_341 = arith.constant 2 : i32
        %rem3A_342 = arith.remui %scan3A_193, %rem3A_341 : i32
        %mul3A_343 = arith.constant 6144 : i32
        %mul3A_344 = arith.muli %rem3A_342, %mul3A_343 : i32
        %rem3A_345 = arith.constant 2 : i32
        %rem3A_346 = arith.remui %scan3A_194, %rem3A_345 : i32
        %mul3A_347 = arith.constant 6144 : i32
        %mul3A_348 = arith.muli %rem3A_346, %mul3A_347 : i32
        "tpu.trace_start"() <{level = 10 : i32, message = "ep_run_kernel"}> : () -> ()
        %get3A = arith.constant 0 : index
        %get3A_349 = tpu.vector_load %arg10[%get3A] {strides = array<i32>} : memref<16xf32, #tpu.memory_space<vmem>>, vector<16xf32>,
        %parallel_loop3A = arith.constant 0 : i32
        %parallel_loop3A_350 = arith.constant 6144 : i32
        %parallel_loop3A_351 = arith.constant 128 : i32
        scf.for %parallel_loop3A_494 = %parallel_loop3A to %parallel_loop3A_350 step %parallel_loop3A_351  : i32 {
          %parallel_loop3A_495 = arith.constant 0 : i32
          %parallel_loop3A_496 = arith.addi %parallel_loop3A_494, %parallel_loop3A_495 : i32
          %parallel_loop3A_497 = tpu.memref_slice %run_scoped3A[%mul3A_332] : memref<12288xi32, #tpu.memory_space<vmem>> -> memref<6144xi32, #tpu.memory_space<vmem>>
          %parallel_loop3A_498 = arith.index_cast %parallel_loop3A_496 : i32 to index
          %parallel_loop3A_499 = tpu.vector_load %parallel_loop3A_497[%parallel_loop3A_498] {strides = array<i32>} : memref<6144xi32, #tpu.memory_space<vmem>>, vector<16xi32>,
          %parallel_loop3A_500 = tpu.memref_slice %run_scoped3A_8[%mul3A_336] : memref<12288xi32, #tpu.memory_space<vmem>> -> memref<6144xi32, #tpu.memory_space<vmem>>
          %parallel_loop3A_501 = arith.index_cast %parallel_loop3A_496 : i32 to index
          %parallel_loop3A_502 = tpu.vector_load %parallel_loop3A_500[%parallel_loop3A_501] {strides = array<i32>} : memref<6144xi32, #tpu.memory_space<vmem>>, vector<16xi32>,
          %parallel_loop3A_503 = tpu.memref_slice %run_scoped3A_10[%mul3A_340] : memref<12288xi32, #tpu.memory_space<vmem>> -> memref<6144xi32, #tpu.memory_space<vmem>>
          %parallel_loop3A_504 = arith.index_cast %parallel_loop3A_496 : i32 to index
          %parallel_loop3A_505 = tpu.vector_load %parallel_loop3A_503[%parallel_loop3A_504] {strides = array<i32>} : memref<6144xi32, #tpu.memory_space<vmem>>, vector<16xi32>,
          %parallel_loop3A_506 = tpu.memref_slice %run_scoped3A_12[%mul3A_344] : memref<12288xi32, #tpu.memory_space<vmem>> -> memref<6144xi32, #tpu.memory_space<vmem>>
          %parallel_loop3A_507 = arith.index_cast %parallel_loop3A_496 : i32 to index
          %parallel_loop3A_508 = tpu.vector_load %parallel_loop3A_506[%parallel_loop3A_507] {strides = array<i32>} : memref<6144xi32, #tpu.memory_space<vmem>>, vector<16xi32>,
          %parallel_loop3A_509 = arith.constant 168 : i32
          %parallel_loop3A_510 = vector.broadcast %parallel_loop3A_509 : i32 to vector<16xi32>
          %parallel_loop3A_511 = arith.muli %parallel_loop3A_499, %parallel_loop3A_510 : vector<16xi32>
          %parallel_loop3A_512 = arith.constant 24 : i32
          %parallel_loop3A_513 = vector.broadcast %parallel_loop3A_512 : i32 to vector<16xi32>
          %parallel_loop3A_514 = arith.muli %parallel_loop3A_502, %parallel_loop3A_513 : vector<16xi32>
          %parallel_loop3A_515 = arith.addi %parallel_loop3A_511, %parallel_loop3A_514 : vector<16xi32>
          %parallel_loop3A_516 = arith.addi %parallel_loop3A_515, %parallel_loop3A_505 : vector<16xi32>
          %parallel_loop3A_517 = tpu.vector_load_idx %arg9[%parallel_loop3A_516] : memref<9216xf32, #tpu.memory_space<vmem>>[vector<16xi32>], vector<16xf32>,
          %parallel_loop3A_518 = arith.constant 2015 : i32
          %parallel_loop3A_519 = vector.broadcast %parallel_loop3A_518 : i32 to vector<16xi32>
          %parallel_loop3A_520 = arith.subi %parallel_loop3A_508, %parallel_loop3A_519 : vector<16xi32>
          %parallel_loop3A_521 = arith.sitofp %parallel_loop3A_520 : vector<16xi32> to vector<16xf32>
          %parallel_loop3A_522 = arith.mulf %get3A_349, %parallel_loop3A_521 : vector<16xf32>
          %parallel_loop3A_523 = arith.addf %parallel_loop3A_517, %parallel_loop3A_522 : vector<16xf32>
          %parallel_loop3A_524 = tpu.memref_slice %run_scoped3A_14[%mul3A_348] : memref<12288xf32, #tpu.memory_space<vmem>> -> memref<6144xf32, #tpu.memory_space<vmem>>
          %parallel_loop3A_525 = arith.index_cast %parallel_loop3A_496 : i32 to index
          %parallel_loop3A_526 = tpu.vector_load %parallel_loop3A_524[%parallel_loop3A_525] {strides = array<i32>} : memref<6144xf32, #tpu.memory_space<vmem>>, vector<16xf32>,
          tpu.vector_store %parallel_loop3A_524[%parallel_loop3A_525], %parallel_loop3A_523 {strides = array<i32>} : memref<6144xf32, #tpu.memory_space<vmem>>, vector<16xf32>,
          %parallel_loop3A_527 = arith.constant 16 : i32
          %parallel_loop3A_528 = arith.addi %parallel_loop3A_494, %parallel_loop3A_527 : i32
          %parallel_loop3A_529 = tpu.memref_slice %run_scoped3A[%mul3A_332] : memref<12288xi32, #tpu.memory_space<vmem>> -> memref<6144xi32, #tpu.memory_space<vmem>>
          %parallel_loop3A_530 = arith.index_cast %parallel_loop3A_528 : i32 to index
          %parallel_loop3A_531 = tpu.vector_load %parallel_loop3A_529[%parallel_loop3A_530] {strides = array<i32>} : memref<6144xi32, #tpu.memory_space<vmem>>, vector<16xi32>,
          %parallel_loop3A_532 = tpu.memref_slice %run_scoped3A_8[%mul3A_336] : memref<12288xi32, #tpu.memory_space<vmem>> -> memref<6144xi32, #tpu.memory_space<vmem>>
          %parallel_loop3A_533 = arith.index_cast %parallel_loop3A_528 : i32 to index
          %parallel_loop3A_534 = tpu.vector_load %parallel_loop3A_532[%parallel_loop3A_533] {strides = array<i32>} : memref<6144xi32, #tpu.memory_space<vmem>>, vector<16xi32>,
          %parallel_loop3A_535 = tpu.memref_slice %run_scoped3A_10[%mul3A_340] : memref<12288xi32, #tpu.memory_space<vmem>> -> memref<6144xi32, #tpu.memory_space<vmem>>
          %parallel_loop3A_536 = arith.index_cast %parallel_loop3A_528 : i32 to index
          %parallel_loop3A_537 = tpu.vector_load %parallel_loop3A_535[%parallel_loop3A_536] {strides = array<i32>} : memref<6144xi32, #tpu.memory_space<vmem>>, vector<16xi32>,
          %parallel_loop3A_538 = tpu.memref_slice %run_scoped3A_12[%mul3A_344] : memref<12288xi32, #tpu.memory_space<vmem>> -> memref<6144xi32, #tpu.memory_space<vmem>>
          %parallel_loop3A_539 = arith.index_cast %parallel_loop3A_528 : i32 to index
          %parallel_loop3A_540 = tpu.vector_load %parallel_loop3A_538[%parallel_loop3A_539] {strides = array<i32>} : memref<6144xi32, #tpu.memory_space<vmem>>, vector<16xi32>,
          %parallel_loop3A_541 = arith.constant 168 : i32
          %parallel_loop3A_542 = vector.broadcast %parallel_loop3A_541 : i32 to vector<16xi32>
          %parallel_loop3A_543 = arith.muli %parallel_loop3A_531, %parallel_loop3A_542 : vector<16xi32>
          %parallel_loop3A_544 = arith.constant 24 : i32
          %parallel_loop3A_545 = vector.broadcast %parallel_loop3A_544 : i32 to vector<16xi32>
          %parallel_loop3A_546 = arith.muli %parallel_loop3A_534, %parallel_loop3A_545 : vector<16xi32>
          %parallel_loop3A_547 = arith.addi %parallel_loop3A_543, %parallel_loop3A_546 : vector<16xi32>
          %parallel_loop3A_548 = arith.addi %parallel_loop3A_547, %parallel_loop3A_537 : vector<16xi32>
          %parallel_loop3A_549 = tpu.vector_load_idx %arg9[%parallel_loop3A_548] : memref<9216xf32, #tpu.memory_space<vmem>>[vector<16xi32>], vector<16xf32>,
          %parallel_loop3A_550 = arith.constant 2015 : i32
          %parallel_loop3A_551 = vector.broadcast %parallel_loop3A_550 : i32 to vector<16xi32>
          %parallel_loop3A_552 = arith.subi %parallel_loop3A_540, %parallel_loop3A_551 : vector<16xi32>
          %parallel_loop3A_553 = arith.sitofp %parallel_loop3A_552 : vector<16xi32> to vector<16xf32>
          %parallel_loop3A_554 = arith.mulf %get3A_349, %parallel_loop3A_553 : vector<16xf32>
          %parallel_loop3A_555 = arith.addf %parallel_loop3A_549, %parallel_loop3A_554 : vector<16xf32>
          %parallel_loop3A_556 = tpu.memref_slice %run_scoped3A_14[%mul3A_348] : memref<12288xf32, #tpu.memory_space<vmem>> -> memref<6144xf32, #tpu.memory_space<vmem>>
          %parallel_loop3A_557 = arith.index_cast %parallel_loop3A_528 : i32 to index
          %parallel_loop3A_558 = tpu.vector_load %parallel_loop3A_556[%parallel_loop3A_557] {strides = array<i32>} : memref<6144xf32, #tpu.memory_space<vmem>>, vector<16xf32>,
          tpu.vector_store %parallel_loop3A_556[%parallel_loop3A_557], %parallel_loop3A_555 {strides = array<i32>} : memref<6144xf32, #tpu.memory_space<vmem>>, vector<16xf32>,
          %parallel_loop3A_559 = arith.constant 32 : i32
          %parallel_loop3A_560 = arith.addi %parallel_loop3A_494, %parallel_loop3A_559 : i32
          %parallel_loop3A_561 = tpu.memref_slice %run_scoped3A[%mul3A_332] : memref<12288xi32, #tpu.memory_space<vmem>> -> memref<6144xi32, #tpu.memory_space<vmem>>
          %parallel_loop3A_562 = arith.index_cast %parallel_loop3A_560 : i32 to index
          %parallel_loop3A_563 = tpu.vector_load %parallel_loop3A_561[%parallel_loop3A_562] {strides = array<i32>} : memref<6144xi32, #tpu.memory_space<vmem>>, vector<16xi32>,
          %parallel_loop3A_564 = tpu.memref_slice %run_scoped3A_8[%mul3A_336] : memref<12288xi32, #tpu.memory_space<vmem>> -> memref<6144xi32, #tpu.memory_space<vmem>>
          %parallel_loop3A_565 = arith.index_cast %parallel_loop3A_560 : i32 to index
          %parallel_loop3A_566 = tpu.vector_load %parallel_loop3A_564[%parallel_loop3A_565] {strides = array<i32>} : memref<6144xi32, #tpu.memory_space<vmem>>, vector<16xi32>,
          %parallel_loop3A_567 = tpu.memref_slice %run_scoped3A_10[%mul3A_340] : memref<12288xi32, #tpu.memory_space<vmem>> -> memref<6144xi32, #tpu.memory_space<vmem>>
          %parallel_loop3A_568 = arith.index_cast %parallel_loop3A_560 : i32 to index
          %parallel_loop3A_569 = tpu.vector_load %parallel_loop3A_567[%parallel_loop3A_568] {strides = array<i32>} : memref<6144xi32, #tpu.memory_space<vmem>>, vector<16xi32>,
          %parallel_loop3A_570 = tpu.memref_slice %run_scoped3A_12[%mul3A_344] : memref<12288xi32, #tpu.memory_space<vmem>> -> memref<6144xi32, #tpu.memory_space<vmem>>
          %parallel_loop3A_571 = arith.index_cast %parallel_loop3A_560 : i32 to index
          %parallel_loop3A_572 = tpu.vector_load %parallel_loop3A_570[%parallel_loop3A_571] {strides = array<i32>} : memref<6144xi32, #tpu.memory_space<vmem>>, vector<16xi32>,
          %parallel_loop3A_573 = arith.constant 168 : i32
          %parallel_loop3A_574 = vector.broadcast %parallel_loop3A_573 : i32 to vector<16xi32>
          %parallel_loop3A_575 = arith.muli %parallel_loop3A_563, %parallel_loop3A_574 : vector<16xi32>
          %parallel_loop3A_576 = arith.constant 24 : i32
          %parallel_loop3A_577 = vector.broadcast %parallel_loop3A_576 : i32 to vector<16xi32>
          %parallel_loop3A_578 = arith.muli %parallel_loop3A_566, %parallel_loop3A_577 : vector<16xi32>
          %parallel_loop3A_579 = arith.addi %parallel_loop3A_575, %parallel_loop3A_578 : vector<16xi32>
          %parallel_loop3A_580 = arith.addi %parallel_loop3A_579, %parallel_loop3A_569 : vector<16xi32>
          %parallel_loop3A_581 = tpu.vector_load_idx %arg9[%parallel_loop3A_580] : memref<9216xf32, #tpu.memory_space<vmem>>[vector<16xi32>], vector<16xf32>,
          %parallel_loop3A_582 = arith.constant 2015 : i32
          %parallel_loop3A_583 = vector.broadcast %parallel_loop3A_582 : i32 to vector<16xi32>
          %parallel_loop3A_584 = arith.subi %parallel_loop3A_572, %parallel_loop3A_583 : vector<16xi32>
          %parallel_loop3A_585 = arith.sitofp %parallel_loop3A_584 : vector<16xi32> to vector<16xf32>
          %parallel_loop3A_586 = arith.mulf %get3A_349, %parallel_loop3A_585 : vector<16xf32>
          %parallel_loop3A_587 = arith.addf %parallel_loop3A_581, %parallel_loop3A_586 : vector<16xf32>
          %parallel_loop3A_588 = tpu.memref_slice %run_scoped3A_14[%mul3A_348] : memref<12288xf32, #tpu.memory_space<vmem>> -> memref<6144xf32, #tpu.memory_space<vmem>>
          %parallel_loop3A_589 = arith.index_cast %parallel_loop3A_560 : i32 to index
          %parallel_loop3A_590 = tpu.vector_load %parallel_loop3A_588[%parallel_loop3A_589] {strides = array<i32>} : memref<6144xf32, #tpu.memory_space<vmem>>, vector<16xf32>,
          tpu.vector_store %parallel_loop3A_588[%parallel_loop3A_589], %parallel_loop3A_587 {strides = array<i32>} : memref<6144xf32, #tpu.memory_space<vmem>>, vector<16xf32>,
          %parallel_loop3A_591 = arith.constant 48 : i32
          %parallel_loop3A_592 = arith.addi %parallel_loop3A_494, %parallel_loop3A_591 : i32
          %parallel_loop3A_593 = tpu.memref_slice %run_scoped3A[%mul3A_332] : memref<12288xi32, #tpu.memory_space<vmem>> -> memref<6144xi32, #tpu.memory_space<vmem>>
          %parallel_loop3A_594 = arith.index_cast %parallel_loop3A_592 : i32 to index
          %parallel_loop3A_595 = tpu.vector_load %parallel_loop3A_593[%parallel_loop3A_594] {strides = array<i32>} : memref<6144xi32, #tpu.memory_space<vmem>>, vector<16xi32>,
          %parallel_loop3A_596 = tpu.memref_slice %run_scoped3A_8[%mul3A_336] : memref<12288xi32, #tpu.memory_space<vmem>> -> memref<6144xi32, #tpu.memory_space<vmem>>
          %parallel_loop3A_597 = arith.index_cast %parallel_loop3A_592 : i32 to index
          %parallel_loop3A_598 = tpu.vector_load %parallel_loop3A_596[%parallel_loop3A_597] {strides = array<i32>} : memref<6144xi32, #tpu.memory_space<vmem>>, vector<16xi32>,
          %parallel_loop3A_599 = tpu.memref_slice %run_scoped3A_10[%mul3A_340] : memref<12288xi32, #tpu.memory_space<vmem>> -> memref<6144xi32, #tpu.memory_space<vmem>>
          %parallel_loop3A_600 = arith.index_cast %parallel_loop3A_592 : i32 to index
          %parallel_loop3A_601 = tpu.vector_load %parallel_loop3A_599[%parallel_loop3A_600] {strides = array<i32>} : memref<6144xi32, #tpu.memory_space<vmem>>, vector<16xi32>,
          %parallel_loop3A_602 = tpu.memref_slice %run_scoped3A_12[%mul3A_344] : memref<12288xi32, #tpu.memory_space<vmem>> -> memref<6144xi32, #tpu.memory_space<vmem>>
          %parallel_loop3A_603 = arith.index_cast %parallel_loop3A_592 : i32 to index
          %parallel_loop3A_604 = tpu.vector_load %parallel_loop3A_602[%parallel_loop3A_603] {strides = array<i32>} : memref<6144xi32, #tpu.memory_space<vmem>>, vector<16xi32>,
          %parallel_loop3A_605 = arith.constant 168 : i32
          %parallel_loop3A_606 = vector.broadcast %parallel_loop3A_605 : i32 to vector<16xi32>
          %parallel_loop3A_607 = arith.muli %parallel_loop3A_595, %parallel_loop3A_606 : vector<16xi32>
          %parallel_loop3A_608 = arith.constant 24 : i32
          %parallel_loop3A_609 = vector.broadcast %parallel_loop3A_608 : i32 to vector<16xi32>
          %parallel_loop3A_610 = arith.muli %parallel_loop3A_598, %parallel_loop3A_609 : vector<16xi32>
          %parallel_loop3A_611 = arith.addi %parallel_loop3A_607, %parallel_loop3A_610 : vector<16xi32>
          %parallel_loop3A_612 = arith.addi %parallel_loop3A_611, %parallel_loop3A_601 : vector<16xi32>
          %parallel_loop3A_613 = tpu.vector_load_idx %arg9[%parallel_loop3A_612] : memref<9216xf32, #tpu.memory_space<vmem>>[vector<16xi32>], vector<16xf32>,
          %parallel_loop3A_614 = arith.constant 2015 : i32
          %parallel_loop3A_615 = vector.broadcast %parallel_loop3A_614 : i32 to vector<16xi32>
          %parallel_loop3A_616 = arith.subi %parallel_loop3A_604, %parallel_loop3A_615 : vector<16xi32>
          %parallel_loop3A_617 = arith.sitofp %parallel_loop3A_616 : vector<16xi32> to vector<16xf32>
          %parallel_loop3A_618 = arith.mulf %get3A_349, %parallel_loop3A_617 : vector<16xf32>
          %parallel_loop3A_619 = arith.addf %parallel_loop3A_613, %parallel_loop3A_618 : vector<16xf32>
          %parallel_loop3A_620 = tpu.memref_slice %run_scoped3A_14[%mul3A_348] : memref<12288xf32, #tpu.memory_space<vmem>> -> memref<6144xf32, #tpu.memory_space<vmem>>
          %parallel_loop3A_621 = arith.index_cast %parallel_loop3A_592 : i32 to index
          %parallel_loop3A_622 = tpu.vector_load %parallel_loop3A_620[%parallel_loop3A_621] {strides = array<i32>} : memref<6144xf32, #tpu.memory_space<vmem>>, vector<16xf32>,
          tpu.vector_store %parallel_loop3A_620[%parallel_loop3A_621], %parallel_loop3A_619 {strides = array<i32>} : memref<6144xf32, #tpu.memory_space<vmem>>, vector<16xf32>,
          %parallel_loop3A_623 = arith.constant 64 : i32
          %parallel_loop3A_624 = arith.addi %parallel_loop3A_494, %parallel_loop3A_623 : i32
          %parallel_loop3A_625 = tpu.memref_slice %run_scoped3A[%mul3A_332] : memref<12288xi32, #tpu.memory_space<vmem>> -> memref<6144xi32, #tpu.memory_space<vmem>>
          %parallel_loop3A_626 = arith.index_cast %parallel_loop3A_624 : i32 to index
          %parallel_loop3A_627 = tpu.vector_load %parallel_loop3A_625[%parallel_loop3A_626] {strides = array<i32>} : memref<6144xi32, #tpu.memory_space<vmem>>, vector<16xi32>,
          %parallel_loop3A_628 = tpu.memref_slice %run_scoped3A_8[%mul3A_336] : memref<12288xi32, #tpu.memory_space<vmem>> -> memref<6144xi32, #tpu.memory_space<vmem>>
          %parallel_loop3A_629 = arith.index_cast %parallel_loop3A_624 : i32 to index
          %parallel_loop3A_630 = tpu.vector_load %parallel_loop3A_628[%parallel_loop3A_629] {strides = array<i32>} : memref<6144xi32, #tpu.memory_space<vmem>>, vector<16xi32>,
          %parallel_loop3A_631 = tpu.memref_slice %run_scoped3A_10[%mul3A_340] : memref<12288xi32, #tpu.memory_space<vmem>> -> memref<6144xi32, #tpu.memory_space<vmem>>
          %parallel_loop3A_632 = arith.index_cast %parallel_loop3A_624 : i32 to index
          %parallel_loop3A_633 = tpu.vector_load %parallel_loop3A_631[%parallel_loop3A_632] {strides = array<i32>} : memref<6144xi32, #tpu.memory_space<vmem>>, vector<16xi32>,
          %parallel_loop3A_634 = tpu.memref_slice %run_scoped3A_12[%mul3A_344] : memref<12288xi32, #tpu.memory_space<vmem>> -> memref<6144xi32, #tpu.memory_space<vmem>>
          %parallel_loop3A_635 = arith.index_cast %parallel_loop3A_624 : i32 to index
          %parallel_loop3A_636 = tpu.vector_load %parallel_loop3A_634[%parallel_loop3A_635] {strides = array<i32>} : memref<6144xi32, #tpu.memory_space<vmem>>, vector<16xi32>,
          %parallel_loop3A_637 = arith.constant 168 : i32
          %parallel_loop3A_638 = vector.broadcast %parallel_loop3A_637 : i32 to vector<16xi32>
          %parallel_loop3A_639 = arith.muli %parallel_loop3A_627, %parallel_loop3A_638 : vector<16xi32>
          %parallel_loop3A_640 = arith.constant 24 : i32
          %parallel_loop3A_641 = vector.broadcast %parallel_loop3A_640 : i32 to vector<16xi32>
          %parallel_loop3A_642 = arith.muli %parallel_loop3A_630, %parallel_loop3A_641 : vector<16xi32>
          %parallel_loop3A_643 = arith.addi %parallel_loop3A_639, %parallel_loop3A_642 : vector<16xi32>
          %parallel_loop3A_644 = arith.addi %parallel_loop3A_643, %parallel_loop3A_633 : vector<16xi32>
          %parallel_loop3A_645 = tpu.vector_load_idx %arg9[%parallel_loop3A_644] : memref<9216xf32, #tpu.memory_space<vmem>>[vector<16xi32>], vector<16xf32>,
          %parallel_loop3A_646 = arith.constant 2015 : i32
          %parallel_loop3A_647 = vector.broadcast %parallel_loop3A_646 : i32 to vector<16xi32>
          %parallel_loop3A_648 = arith.subi %parallel_loop3A_636, %parallel_loop3A_647 : vector<16xi32>
          %parallel_loop3A_649 = arith.sitofp %parallel_loop3A_648 : vector<16xi32> to vector<16xf32>
          %parallel_loop3A_650 = arith.mulf %get3A_349, %parallel_loop3A_649 : vector<16xf32>
          %parallel_loop3A_651 = arith.addf %parallel_loop3A_645, %parallel_loop3A_650 : vector<16xf32>
          %parallel_loop3A_652 = tpu.memref_slice %run_scoped3A_14[%mul3A_348] : memref<12288xf32, #tpu.memory_space<vmem>> -> memref<6144xf32, #tpu.memory_space<vmem>>
          %parallel_loop3A_653 = arith.index_cast %parallel_loop3A_624 : i32 to index
          %parallel_loop3A_654 = tpu.vector_load %parallel_loop3A_652[%parallel_loop3A_653] {strides = array<i32>} : memref<6144xf32, #tpu.memory_space<vmem>>, vector<16xf32>,
          tpu.vector_store %parallel_loop3A_652[%parallel_loop3A_653], %parallel_loop3A_651 {strides = array<i32>} : memref<6144xf32, #tpu.memory_space<vmem>>, vector<16xf32>,
          %parallel_loop3A_655 = arith.constant 80 : i32
          %parallel_loop3A_656 = arith.addi %parallel_loop3A_494, %parallel_loop3A_655 : i32
          %parallel_loop3A_657 = tpu.memref_slice %run_scoped3A[%mul3A_332] : memref<12288xi32, #tpu.memory_space<vmem>> -> memref<6144xi32, #tpu.memory_space<vmem>>
          %parallel_loop3A_658 = arith.index_cast %parallel_loop3A_656 : i32 to index
          %parallel_loop3A_659 = tpu.vector_load %parallel_loop3A_657[%parallel_loop3A_658] {strides = array<i32>} : memref<6144xi32, #tpu.memory_space<vmem>>, vector<16xi32>,
          %parallel_loop3A_660 = tpu.memref_slice %run_scoped3A_8[%mul3A_336] : memref<12288xi32, #tpu.memory_space<vmem>> -> memref<6144xi32, #tpu.memory_space<vmem>>
          %parallel_loop3A_661 = arith.index_cast %parallel_loop3A_656 : i32 to index
          %parallel_loop3A_662 = tpu.vector_load %parallel_loop3A_660[%parallel_loop3A_661] {strides = array<i32>} : memref<6144xi32, #tpu.memory_space<vmem>>, vector<16xi32>,
          %parallel_loop3A_663 = tpu.memref_slice %run_scoped3A_10[%mul3A_340] : memref<12288xi32, #tpu.memory_space<vmem>> -> memref<6144xi32, #tpu.memory_space<vmem>>
          %parallel_loop3A_664 = arith.index_cast %parallel_loop3A_656 : i32 to index
          %parallel_loop3A_665 = tpu.vector_load %parallel_loop3A_663[%parallel_loop3A_664] {strides = array<i32>} : memref<6144xi32, #tpu.memory_space<vmem>>, vector<16xi32>,
          %parallel_loop3A_666 = tpu.memref_slice %run_scoped3A_12[%mul3A_344] : memref<12288xi32, #tpu.memory_space<vmem>> -> memref<6144xi32, #tpu.memory_space<vmem>>
          %parallel_loop3A_667 = arith.index_cast %parallel_loop3A_656 : i32 to index
          %parallel_loop3A_668 = tpu.vector_load %parallel_loop3A_666[%parallel_loop3A_667] {strides = array<i32>} : memref<6144xi32, #tpu.memory_space<vmem>>, vector<16xi32>,
          %parallel_loop3A_669 = arith.constant 168 : i32
          %parallel_loop3A_670 = vector.broadcast %parallel_loop3A_669 : i32 to vector<16xi32>
          %parallel_loop3A_671 = arith.muli %parallel_loop3A_659, %parallel_loop3A_670 : vector<16xi32>
          %parallel_loop3A_672 = arith.constant 24 : i32
          %parallel_loop3A_673 = vector.broadcast %parallel_loop3A_672 : i32 to vector<16xi32>
          %parallel_loop3A_674 = arith.muli %parallel_loop3A_662, %parallel_loop3A_673 : vector<16xi32>
          %parallel_loop3A_675 = arith.addi %parallel_loop3A_671, %parallel_loop3A_674 : vector<16xi32>
          %parallel_loop3A_676 = arith.addi %parallel_loop3A_675, %parallel_loop3A_665 : vector<16xi32>
          %parallel_loop3A_677 = tpu.vector_load_idx %arg9[%parallel_loop3A_676] : memref<9216xf32, #tpu.memory_space<vmem>>[vector<16xi32>], vector<16xf32>,
          %parallel_loop3A_678 = arith.constant 2015 : i32
          %parallel_loop3A_679 = vector.broadcast %parallel_loop3A_678 : i32 to vector<16xi32>
          %parallel_loop3A_680 = arith.subi %parallel_loop3A_668, %parallel_loop3A_679 : vector<16xi32>
          %parallel_loop3A_681 = arith.sitofp %parallel_loop3A_680 : vector<16xi32> to vector<16xf32>
          %parallel_loop3A_682 = arith.mulf %get3A_349, %parallel_loop3A_681 : vector<16xf32>
          %parallel_loop3A_683 = arith.addf %parallel_loop3A_677, %parallel_loop3A_682 : vector<16xf32>
          %parallel_loop3A_684 = tpu.memref_slice %run_scoped3A_14[%mul3A_348] : memref<12288xf32, #tpu.memory_space<vmem>> -> memref<6144xf32, #tpu.memory_space<vmem>>
          %parallel_loop3A_685 = arith.index_cast %parallel_loop3A_656 : i32 to index
          %parallel_loop3A_686 = tpu.vector_load %parallel_loop3A_684[%parallel_loop3A_685] {strides = array<i32>} : memref<6144xf32, #tpu.memory_space<vmem>>, vector<16xf32>,
          tpu.vector_store %parallel_loop3A_684[%parallel_loop3A_685], %parallel_loop3A_683 {strides = array<i32>} : memref<6144xf32, #tpu.memory_space<vmem>>, vector<16xf32>,
          %parallel_loop3A_687 = arith.constant 96 : i32
          %parallel_loop3A_688 = arith.addi %parallel_loop3A_494, %parallel_loop3A_687 : i32
          %parallel_loop3A_689 = tpu.memref_slice %run_scoped3A[%mul3A_332] : memref<12288xi32, #tpu.memory_space<vmem>> -> memref<6144xi32, #tpu.memory_space<vmem>>
          %parallel_loop3A_690 = arith.index_cast %parallel_loop3A_688 : i32 to index
          %parallel_loop3A_691 = tpu.vector_load %parallel_loop3A_689[%parallel_loop3A_690] {strides = array<i32>} : memref<6144xi32, #tpu.memory_space<vmem>>, vector<16xi32>,
          %parallel_loop3A_692 = tpu.memref_slice %run_scoped3A_8[%mul3A_336] : memref<12288xi32, #tpu.memory_space<vmem>> -> memref<6144xi32, #tpu.memory_space<vmem>>
          %parallel_loop3A_693 = arith.index_cast %parallel_loop3A_688 : i32 to index
          %parallel_loop3A_694 = tpu.vector_load %parallel_loop3A_692[%parallel_loop3A_693] {strides = array<i32>} : memref<6144xi32, #tpu.memory_space<vmem>>, vector<16xi32>,
          %parallel_loop3A_695 = tpu.memref_slice %run_scoped3A_10[%mul3A_340] : memref<12288xi32, #tpu.memory_space<vmem>> -> memref<6144xi32, #tpu.memory_space<vmem>>
          %parallel_loop3A_696 = arith.index_cast %parallel_loop3A_688 : i32 to index
          %parallel_loop3A_697 = tpu.vector_load %parallel_loop3A_695[%parallel_loop3A_696] {strides = array<i32>} : memref<6144xi32, #tpu.memory_space<vmem>>, vector<16xi32>,
          %parallel_loop3A_698 = tpu.memref_slice %run_scoped3A_12[%mul3A_344] : memref<12288xi32, #tpu.memory_space<vmem>> -> memref<6144xi32, #tpu.memory_space<vmem>>
          %parallel_loop3A_699 = arith.index_cast %parallel_loop3A_688 : i32 to index
          %parallel_loop3A_700 = tpu.vector_load %parallel_loop3A_698[%parallel_loop3A_699] {strides = array<i32>} : memref<6144xi32, #tpu.memory_space<vmem>>, vector<16xi32>,
          %parallel_loop3A_701 = arith.constant 168 : i32
          %parallel_loop3A_702 = vector.broadcast %parallel_loop3A_701 : i32 to vector<16xi32>
          %parallel_loop3A_703 = arith.muli %parallel_loop3A_691, %parallel_loop3A_702 : vector<16xi32>
          %parallel_loop3A_704 = arith.constant 24 : i32
          %parallel_loop3A_705 = vector.broadcast %parallel_loop3A_704 : i32 to vector<16xi32>
          %parallel_loop3A_706 = arith.muli %parallel_loop3A_694, %parallel_loop3A_705 : vector<16xi32>
          %parallel_loop3A_707 = arith.addi %parallel_loop3A_703, %parallel_loop3A_706 : vector<16xi32>
          %parallel_loop3A_708 = arith.addi %parallel_loop3A_707, %parallel_loop3A_697 : vector<16xi32>
          %parallel_loop3A_709 = tpu.vector_load_idx %arg9[%parallel_loop3A_708] : memref<9216xf32, #tpu.memory_space<vmem>>[vector<16xi32>], vector<16xf32>,
          %parallel_loop3A_710 = arith.constant 2015 : i32
          %parallel_loop3A_711 = vector.broadcast %parallel_loop3A_710 : i32 to vector<16xi32>
          %parallel_loop3A_712 = arith.subi %parallel_loop3A_700, %parallel_loop3A_711 : vector<16xi32>
          %parallel_loop3A_713 = arith.sitofp %parallel_loop3A_712 : vector<16xi32> to vector<16xf32>
          %parallel_loop3A_714 = arith.mulf %get3A_349, %parallel_loop3A_713 : vector<16xf32>
          %parallel_loop3A_715 = arith.addf %parallel_loop3A_709, %parallel_loop3A_714 : vector<16xf32>
          %parallel_loop3A_716 = tpu.memref_slice %run_scoped3A_14[%mul3A_348] : memref<12288xf32, #tpu.memory_space<vmem>> -> memref<6144xf32, #tpu.memory_space<vmem>>
          %parallel_loop3A_717 = arith.index_cast %parallel_loop3A_688 : i32 to index
          %parallel_loop3A_718 = tpu.vector_load %parallel_loop3A_716[%parallel_loop3A_717] {strides = array<i32>} : memref<6144xf32, #tpu.memory_space<vmem>>, vector<16xf32>,
          tpu.vector_store %parallel_loop3A_716[%parallel_loop3A_717], %parallel_loop3A_715 {strides = array<i32>} : memref<6144xf32, #tpu.memory_space<vmem>>, vector<16xf32>,
          %parallel_loop3A_719 = arith.constant 112 : i32
          %parallel_loop3A_720 = arith.addi %parallel_loop3A_494, %parallel_loop3A_719 : i32
          %parallel_loop3A_721 = tpu.memref_slice %run_scoped3A[%mul3A_332] : memref<12288xi32, #tpu.memory_space<vmem>> -> memref<6144xi32, #tpu.memory_space<vmem>>
          %parallel_loop3A_722 = arith.index_cast %parallel_loop3A_720 : i32 to index
          %parallel_loop3A_723 = tpu.vector_load %parallel_loop3A_721[%parallel_loop3A_722] {strides = array<i32>} : memref<6144xi32, #tpu.memory_space<vmem>>, vector<16xi32>,
          %parallel_loop3A_724 = tpu.memref_slice %run_scoped3A_8[%mul3A_336] : memref<12288xi32, #tpu.memory_space<vmem>> -> memref<6144xi32, #tpu.memory_space<vmem>>
          %parallel_loop3A_725 = arith.index_cast %parallel_loop3A_720 : i32 to index
          %parallel_loop3A_726 = tpu.vector_load %parallel_loop3A_724[%parallel_loop3A_725] {strides = array<i32>} : memref<6144xi32, #tpu.memory_space<vmem>>, vector<16xi32>,
          %parallel_loop3A_727 = tpu.memref_slice %run_scoped3A_10[%mul3A_340] : memref<12288xi32, #tpu.memory_space<vmem>> -> memref<6144xi32, #tpu.memory_space<vmem>>
          %parallel_loop3A_728 = arith.index_cast %parallel_loop3A_720 : i32 to index
          %parallel_loop3A_729 = tpu.vector_load %parallel_loop3A_727[%parallel_loop3A_728] {strides = array<i32>} : memref<6144xi32, #tpu.memory_space<vmem>>, vector<16xi32>,
          %parallel_loop3A_730 = tpu.memref_slice %run_scoped3A_12[%mul3A_344] : memref<12288xi32, #tpu.memory_space<vmem>> -> memref<6144xi32, #tpu.memory_space<vmem>>
          %parallel_loop3A_731 = arith.index_cast %parallel_loop3A_720 : i32 to index
          %parallel_loop3A_732 = tpu.vector_load %parallel_loop3A_730[%parallel_loop3A_731] {strides = array<i32>} : memref<6144xi32, #tpu.memory_space<vmem>>, vector<16xi32>,
          %parallel_loop3A_733 = arith.constant 168 : i32
          %parallel_loop3A_734 = vector.broadcast %parallel_loop3A_733 : i32 to vector<16xi32>
          %parallel_loop3A_735 = arith.muli %parallel_loop3A_723, %parallel_loop3A_734 : vector<16xi32>
          %parallel_loop3A_736 = arith.constant 24 : i32
          %parallel_loop3A_737 = vector.broadcast %parallel_loop3A_736 : i32 to vector<16xi32>
          %parallel_loop3A_738 = arith.muli %parallel_loop3A_726, %parallel_loop3A_737 : vector<16xi32>
          %parallel_loop3A_739 = arith.addi %parallel_loop3A_735, %parallel_loop3A_738 : vector<16xi32>
          %parallel_loop3A_740 = arith.addi %parallel_loop3A_739, %parallel_loop3A_729 : vector<16xi32>
          %parallel_loop3A_741 = tpu.vector_load_idx %arg9[%parallel_loop3A_740] : memref<9216xf32, #tpu.memory_space<vmem>>[vector<16xi32>], vector<16xf32>,
          %parallel_loop3A_742 = arith.constant 2015 : i32
          %parallel_loop3A_743 = vector.broadcast %parallel_loop3A_742 : i32 to vector<16xi32>
          %parallel_loop3A_744 = arith.subi %parallel_loop3A_732, %parallel_loop3A_743 : vector<16xi32>
          %parallel_loop3A_745 = arith.sitofp %parallel_loop3A_744 : vector<16xi32> to vector<16xf32>
          %parallel_loop3A_746 = arith.mulf %get3A_349, %parallel_loop3A_745 : vector<16xf32>
          %parallel_loop3A_747 = arith.addf %parallel_loop3A_741, %parallel_loop3A_746 : vector<16xf32>
          %parallel_loop3A_748 = tpu.memref_slice %run_scoped3A_14[%mul3A_348] : memref<12288xf32, #tpu.memory_space<vmem>> -> memref<6144xf32, #tpu.memory_space<vmem>>
          %parallel_loop3A_749 = arith.index_cast %parallel_loop3A_720 : i32 to index
          %parallel_loop3A_750 = tpu.vector_load %parallel_loop3A_748[%parallel_loop3A_749] {strides = array<i32>} : memref<6144xf32, #tpu.memory_space<vmem>>, vector<16xf32>,
          tpu.vector_store %parallel_loop3A_748[%parallel_loop3A_749], %parallel_loop3A_747 {strides = array<i32>} : memref<6144xf32, #tpu.memory_space<vmem>>, vector<16xf32>,
        } {sc.loop_unroll_factor = 4 : i64, sc.parallel_access}
        "tpu.trace_stop"() : () -> ()
        %ne3A_352 = arith.cmpi ne, %add3A_201, %add3A_219 : i32
        %or3A_353 = arith.constant false
        %or3A_354 = arith.ori %or3A_353, %ne3A_352 : i1
        %or3A_355 = arith.ori %or3A_354, %eq3A_200 : i1
        %convert_element_type3A_356 = arith.extui %or3A_355 : i1 to i32
        %cond3A_357 = arith.constant 0 : i32
        %cond3A_358 = arith.cmpi ne, %convert_element_type3A_356, %cond3A_357 : i32
        scf.if %cond3A_358 {
        } else {
        }
        %and3A_359 = arith.constant false
        %and3A_360 = arith.andi %or3A_355, %and3A_359 : i1
        %ne3A_361 = arith.cmpi ne, %add3A_201, %add3A_219 : i32
        %or3A_362 = arith.constant false
        %or3A_363 = arith.ori %or3A_362, %ne3A_361 : i1
        %or3A_364 = arith.ori %or3A_363, %eq3A_200 : i1
        %convert_element_type3A_365 = arith.extui %or3A_364 : i1 to i32
        %cond3A_366 = arith.constant 0 : i32
        %cond3A_367 = arith.cmpi ne, %convert_element_type3A_365, %cond3A_366 : i32
        scf.if %cond3A_367 {
        } else {
        }
        %and3A_368 = arith.constant false
        %and3A_369 = arith.andi %or3A_364, %and3A_368 : i1
        %ne3A_370 = arith.cmpi ne, %add3A_201, %add3A_219 : i32
        %or3A_371 = arith.constant false
        %or3A_372 = arith.ori %or3A_371, %ne3A_370 : i1
        %or3A_373 = arith.ori %or3A_372, %eq3A_200 : i1
        %convert_element_type3A_374 = arith.extui %or3A_373 : i1 to i32
        %cond3A_375 = arith.constant 0 : i32
        %cond3A_376 = arith.cmpi ne, %convert_element_type3A_374, %cond3A_375 : i32
        scf.if %cond3A_376 {
        } else {
        }
        %and3A_377 = arith.constant false
        %and3A_378 = arith.andi %or3A_373, %and3A_377 : i1
        %ne3A_379 = arith.cmpi ne, %add3A_201, %add3A_219 : i32
        %or3A_380 = arith.constant false
        %or3A_381 = arith.ori %or3A_380, %ne3A_379 : i1
        %or3A_382 = arith.ori %or3A_381, %eq3A_200 : i1
        %convert_element_type3A_383 = arith.extui %or3A_382 : i1 to i32
        %cond3A_384 = arith.constant 0 : i32
        %cond3A_385 = arith.cmpi ne, %convert_element_type3A_383, %cond3A_384 : i32
        scf.if %cond3A_385 {
        } else {
        }
        %and3A_386 = arith.constant false
        %and3A_387 = arith.andi %or3A_382, %and3A_386 : i1
        %ne3A_388 = arith.cmpi ne, %add3A_201, %add3A_219 : i32
        %or3A_389 = arith.constant false
        %or3A_390 = arith.ori %or3A_389, %ne3A_388 : i1
        %or3A_391 = arith.ori %or3A_390, %eq3A_200 : i1
        %convert_element_type3A_392 = arith.extui %or3A_391 : i1 to i32
        %cond3A_393 = arith.constant 0 : i32
        %cond3A_394 = arith.cmpi ne, %convert_element_type3A_392, %cond3A_393 : i32
        scf.if %cond3A_394 {
          "tpu.trace_start"() <{level = 10 : i32, message = "ep_copy_out"}> : () -> ()
          %rem3A_494 = arith.constant 2 : i32
          %rem3A_495 = arith.remui %scan3A_194, %rem3A_494 : i32
          %mul3A_496 = arith.constant 6144 : i32
          %mul3A_497 = arith.muli %mul3A_496, %add3A_201 : i32
          %mul3A_498 = arith.constant 6144 : i32
          %mul3A_499 = arith.muli %rem3A_495, %mul3A_498 : i32
          %add3A_500 = arith.constant 0 : i32
          %add3A_501 = arith.addi %mul3A_499, %add3A_500 : i32
          %dma_start3A_502 = tpu.memref_slice %run_scoped3A_14[%add3A_501] : memref<12288xf32, #tpu.memory_space<vmem>> -> memref<6144xf32, #tpu.memory_space<vmem>>
          %dma_start3A_503 = tpu.memref_slice %arg8[%mul3A_497] : memref<2752512xf32, #tpu.memory_space<hbm>> -> memref<6144xf32, #tpu.memory_space<hbm>>
          %dma_start3A_504 = tpu.memref_slice %run_scoped3A_15[%rem3A_495] : memref<2x!tpu.dma_semaphore, #tpu.memory_space<semaphore_mem>> -> memref<1x!tpu.dma_semaphore, #tpu.memory_space<semaphore_mem>>
          %dma_start3A_505 = tpu.memref_squeeze %dma_start3A_504 : memref<1x!tpu.dma_semaphore, #tpu.memory_space<semaphore_mem>> -> memref<!tpu.dma_semaphore, #tpu.memory_space<semaphore_mem>>
          %dma_start3A_506 = tpu.memref_slice %arg8[%mul3A_497] : memref<2752512xf32, #tpu.memory_space<hbm>> -> memref<6144xf32, #tpu.memory_space<hbm>>
          %dma_start3A_507 = tpu.memref_slice %run_scoped3A_14[%add3A_501] : memref<12288xf32, #tpu.memory_space<vmem>> -> memref<6144xf32, #tpu.memory_space<vmem>>
          tpu.enqueue_dma source(%dma_start3A_507 : memref<6144xf32, #tpu.memory_space<vmem>>) target(%dma_start3A_506 : memref<6144xf32, #tpu.memory_space<hbm>>) target_semaphore(%dma_start3A_505 : memref<!tpu.dma_semaphore, #tpu.memory_space<semaphore_mem>>)
          "tpu.trace_stop"() : () -> ()
        } else {
        }
        %and3A_395 = arith.constant true
        %and3A_396 = arith.andi %or3A_391, %and3A_395 : i1
        %add3A_397 = arith.constant 1 : i32
        %add3A_398 = arith.addi %scan3A_194, %add3A_397 : i32
        %select_n3A_399 = arith.select %and3A_396, %add3A_398, %scan3A_194 : i32
        %ne3A_400 = arith.cmpi ne, %add3A_201, %add3A_210 : i32
        %or3A_401 = arith.constant false
        %or3A_402 = arith.ori %or3A_401, %ne3A_400 : i1
        %not3A_403 = arith.constant true
        %not3A_404 = arith.xori %eq3A_198, %not3A_403 : i1
        %and3A_405 = arith.andi %or3A_402, %not3A_404 : i1
        %convert_element_type3A_406 = arith.extui %and3A_405 : i1 to i32
        %cond3A_407 = arith.constant 0 : i32
        %cond3A_408 = arith.cmpi ne, %convert_element_type3A_406, %cond3A_407 : i32
        scf.if %cond3A_408 {
        } else {
        }
        %and3A_409 = arith.constant false
        %and3A_410 = arith.andi %and3A_405, %and3A_409 : i1
        %ne3A_411 = arith.cmpi ne, %add3A_201, %add3A_210 : i32
        %or3A_412 = arith.constant false
        %or3A_413 = arith.ori %or3A_412, %ne3A_411 : i1
        %not3A_414 = arith.constant true
        %not3A_415 = arith.xori %eq3A_198, %not3A_414 : i1
        %and3A_416 = arith.andi %or3A_413, %not3A_415 : i1
        %convert_element_type3A_417 = arith.extui %and3A_416 : i1 to i32
        %cond3A_418 = arith.constant 0 : i32
        %cond3A_419 = arith.cmpi ne, %convert_element_type3A_417, %cond3A_418 : i32
        scf.if %cond3A_419 {
        } else {
        }
        %and3A_420 = arith.constant false
        %and3A_421 = arith.andi %and3A_416, %and3A_420 : i1
        %ne3A_422 = arith.cmpi ne, %add3A_201, %add3A_210 : i32
        %or3A_423 = arith.constant false
        %or3A_424 = arith.ori %or3A_423, %ne3A_422 : i1
        %not3A_425 = arith.constant true
        %not3A_426 = arith.xori %eq3A_198, %not3A_425 : i1
        %and3A_427 = arith.andi %or3A_424, %not3A_426 : i1
        %convert_element_type3A_428 = arith.extui %and3A_427 : i1 to i32
        %cond3A_429 = arith.constant 0 : i32
        %cond3A_430 = arith.cmpi ne, %convert_element_type3A_428, %cond3A_429 : i32
        scf.if %cond3A_430 {
        } else {
        }
        %and3A_431 = arith.constant false
        %and3A_432 = arith.andi %and3A_427, %and3A_431 : i1
        %ne3A_433 = arith.cmpi ne, %add3A_201, %add3A_210 : i32
        %or3A_434 = arith.constant false
        %or3A_435 = arith.ori %or3A_434, %ne3A_433 : i1
        %not3A_436 = arith.constant true
        %not3A_437 = arith.xori %eq3A_198, %not3A_436 : i1
        %and3A_438 = arith.andi %or3A_435, %not3A_437 : i1
        %convert_element_type3A_439 = arith.extui %and3A_438 : i1 to i32
        %cond3A_440 = arith.constant 0 : i32
        %cond3A_441 = arith.cmpi ne, %convert_element_type3A_439, %cond3A_440 : i32
        scf.if %cond3A_441 {
        } else {
        }
        %and3A_442 = arith.constant false
        %and3A_443 = arith.andi %and3A_438, %and3A_442 : i1
        %ne3A_444 = arith.cmpi ne, %add3A_201, %add3A_210 : i32
        %or3A_445 = arith.constant false
        %or3A_446 = arith.ori %or3A_445, %ne3A_444 : i1
        %not3A_447 = arith.constant true
        %not3A_448 = arith.xori %eq3A_198, %not3A_447 : i1
        %and3A_449 = arith.andi %or3A_446, %not3A_448 : i1
        %convert_element_type3A_450 = arith.extui %and3A_449 : i1 to i32
        %cond3A_451 = arith.constant 0 : i32
        %cond3A_452 = arith.cmpi ne, %convert_element_type3A_450, %cond3A_451 : i32
        scf.if %cond3A_452 {
          "tpu.trace_start"() <{level = 10 : i32, message = "ep_wait_out"}> : () -> ()
          %rem3A_494 = arith.constant 2 : i32
          %rem3A_495 = arith.remui %scan3A_195, %rem3A_494 : i32
          %mul3A_496 = arith.constant 6144 : i32
          %mul3A_497 = arith.muli %mul3A_496, %add3A_210 : i32
          %mul3A_498 = arith.constant 6144 : i32
          %mul3A_499 = arith.muli %rem3A_495, %mul3A_498 : i32
          %add3A_500 = arith.constant 0 : i32
          %add3A_501 = arith.addi %mul3A_499, %add3A_500 : i32
          %dma_wait3A_502 = tpu.memref_slice %run_scoped3A_14[%add3A_501] : memref<12288xf32, #tpu.memory_space<vmem>> -> memref<6144xf32, #tpu.memory_space<vmem>>
          %dma_wait3A_503 = tpu.memref_slice %arg8[%mul3A_497] : memref<2752512xf32, #tpu.memory_space<hbm>> -> memref<6144xf32, #tpu.memory_space<hbm>>
          %dma_wait3A_504 = tpu.memref_slice %run_scoped3A_15[%rem3A_495] : memref<2x!tpu.dma_semaphore, #tpu.memory_space<semaphore_mem>> -> memref<1x!tpu.dma_semaphore, #tpu.memory_space<semaphore_mem>>
          %dma_wait3A_505 = tpu.memref_squeeze %dma_wait3A_504 : memref<1x!tpu.dma_semaphore, #tpu.memory_space<semaphore_mem>> -> memref<!tpu.dma_semaphore, #tpu.memory_space<semaphore_mem>>
          %dma_wait3A_506 = tpu.memref_slice %arg8[%mul3A_497] : memref<2752512xf32, #tpu.memory_space<hbm>> -> memref<6144xf32, #tpu.memory_space<hbm>>
          %dma_wait3A_507 = tpu.memref_slice %run_scoped3A_14[%add3A_501] : memref<12288xf32, #tpu.memory_space<vmem>> -> memref<6144xf32, #tpu.memory_space<vmem>>
          tpu.wait_dma2 semaphore(%dma_wait3A_505 : memref<!tpu.dma_semaphore, #tpu.memory_space<semaphore_mem>>) src(%dma_wait3A_507 : memref<6144xf32, #tpu.memory_space<vmem>>) dst(%dma_wait3A_506 : memref<6144xf32, #tpu.memory_space<hbm>>)
          "tpu.trace_stop"() : () -> ()
        } else {
        }
        %and3A_453 = arith.constant true
        %and3A_454 = arith.andi %and3A_449, %and3A_453 : i1
        %add3A_455 = arith.constant 1 : i32
        %add3A_456 = arith.addi %scan3A_195, %add3A_455 : i32
        %select_n3A_457 = arith.select %and3A_454, %add3A_456, %scan3A_195 : i32
        %ne3A_458 = arith.cmpi ne, %add3A_201, %add3A_219 : i32
        %or3A_459 = arith.constant false
        %or3A_460 = arith.ori %or3A_459, %ne3A_458 : i1
        %or3A_461 = arith.ori %or3A_460, %eq3A_200 : i1
        %add3A_462 = arith.constant 1 : i32
        %add3A_463 = arith.addi %scan3A_187, %add3A_462 : i32
        %select_n3A_464 = arith.select %or3A_461, %add3A_463, %scan3A_187 : i32
        %ne3A_465 = arith.cmpi ne, %add3A_201, %add3A_219 : i32
        %or3A_466 = arith.constant false
        %or3A_467 = arith.ori %or3A_466, %ne3A_465 : i1
        %or3A_468 = arith.ori %or3A_467, %eq3A_200 : i1
        %add3A_469 = arith.constant 1 : i32
        %add3A_470 = arith.addi %scan3A_189, %add3A_469 : i32
        %select_n3A_471 = arith.select %or3A_468, %add3A_470, %scan3A_189 : i32
        %ne3A_472 = arith.cmpi ne, %add3A_201, %add3A_219 : i32
        %or3A_473 = arith.constant false
        %or3A_474 = arith.ori %or3A_473, %ne3A_472 : i1
        %or3A_475 = arith.ori %or3A_474, %eq3A_200 : i1
        %add3A_476 = arith.constant 1 : i32
        %add3A_477 = arith.addi %scan3A_191, %add3A_476 : i32
        %select_n3A_478 = arith.select %or3A_475, %add3A_477, %scan3A_191 : i32
        %ne3A_479 = arith.cmpi ne, %add3A_201, %add3A_219 : i32
        %or3A_480 = arith.constant false
        %or3A_481 = arith.ori %or3A_480, %ne3A_479 : i1
        %or3A_482 = arith.ori %or3A_481, %eq3A_200 : i1
        %add3A_483 = arith.constant 1 : i32
        %add3A_484 = arith.addi %scan3A_193, %add3A_483 : i32
        %select_n3A_485 = arith.select %or3A_482, %add3A_484, %scan3A_193 : i32
        %add3A_486 = arith.constant 1 : i32
        %add3A_487 = arith.addi %scan3A_196, %add3A_486 : i32
        %select_n3A_488 = arith.constant true
        %select_n3A_489 = arith.select %select_n3A_488, %add3A_487, %scan3A_196 : i32
        %eq3A_490 = arith.constant 14 : i32
        %eq3A_491 = arith.cmpi eq, %select_n3A_489, %eq3A_490 : i32
        %select_n3A_492 = arith.constant 0 : i32
        %select_n3A_493 = arith.select %eq3A_491, %select_n3A_492, %select_n3A_489 : i32
        scf.yield %select_n3A_237, %select_n3A_464, %select_n3A_253, %select_n3A_471, %select_n3A_269, %select_n3A_478, %select_n3A_285, %select_n3A_485, %select_n3A_399, %select_n3A_457, %select_n3A_493 : i32, i32, i32, i32, i32, i32, i32, i32, i32, i32, i32
      }
      %scan3A_136 = arith.constant 14 : i32
      %sub3A = arith.constant 1 : i32
      %sub3A_137 = arith.subi %scan3A_135#10, %sub3A : i32
      %select_n3A_138 = arith.constant true
      %select_n3A_139 = arith.select %select_n3A_138, %sub3A_137, %scan3A_135#10 : i32
      %eq3A_140 = arith.constant -1 : i32
      %eq3A_141 = arith.cmpi eq, %select_n3A_139, %eq3A_140 : i32
      %select_n3A_142 = arith.constant 13 : i32
      %select_n3A_143 = arith.select %eq3A_141, %select_n3A_142, %select_n3A_139 : i32
      %add3A_144 = arith.addi %select_n3A_143, %mul3A_6 : i32
      %sub3A_145 = arith.constant 1 : i32
      %sub3A_146 = arith.subi %select_n3A_143, %sub3A_145 : i32
      %select_n3A_147 = arith.constant true
      %select_n3A_148 = arith.select %select_n3A_147, %sub3A_146, %select_n3A_143 : i32
      %eq3A_149 = arith.constant -1 : i32
      %eq3A_150 = arith.cmpi eq, %select_n3A_148, %eq3A_149 : i32
      %select_n3A_151 = arith.constant 13 : i32
      %select_n3A_152 = arith.select %eq3A_150, %select_n3A_151, %select_n3A_148 : i32
      %add3A_153 = arith.addi %select_n3A_152, %mul3A_6 : i32
      %add3A_154 = arith.constant 1 : i32
      %add3A_155 = arith.addi %select_n3A_143, %add3A_154 : i32
      %select_n3A_156 = arith.constant true
      %select_n3A_157 = arith.select %select_n3A_156, %add3A_155, %select_n3A_143 : i32
      %eq3A_158 = arith.constant 14 : i32
      %eq3A_159 = arith.cmpi eq, %select_n3A_157, %eq3A_158 : i32
      %select_n3A_160 = arith.constant 0 : i32
      %select_n3A_161 = arith.select %eq3A_159, %select_n3A_160, %select_n3A_157 : i32
      %add3A_162 = arith.addi %select_n3A_161, %mul3A_6 : i32
      %add3A_163 = arith.constant 1 : i32
      %add3A_164 = arith.addi %select_n3A_161, %add3A_163 : i32
      %select_n3A_165 = arith.constant true
      %select_n3A_166 = arith.select %select_n3A_165, %add3A_164, %select_n3A_161 : i32
      %eq3A_167 = arith.constant 14 : i32
      %eq3A_168 = arith.cmpi eq, %select_n3A_166, %eq3A_167 : i32
      %select_n3A_169 = arith.constant 0 : i32
      %select_n3A_170 = arith.select %eq3A_168, %select_n3A_169, %select_n3A_166 : i32
      %add3A_171 = arith.addi %select_n3A_170, %mul3A_6 : i32
      "tpu.trace_start"() <{level = 10 : i32, message = "ep_finalize"}> : () -> ()
      %rem3A_172 = arith.constant 2 : i32
      %rem3A_173 = arith.remui %scan3A_135#9, %rem3A_172 : i32
      %mul3A_174 = arith.constant 6144 : i32
      %mul3A_175 = arith.muli %mul3A_174, %add3A_144 : i32
      %mul3A_176 = arith.constant 6144 : i32
      %mul3A_177 = arith.muli %rem3A_173, %mul3A_176 : i32
      %add3A_178 = arith.constant 0 : i32
      %add3A_179 = arith.addi %mul3A_177, %add3A_178 : i32
      %dma_wait3A = tpu.memref_slice %run_scoped3A_14[%add3A_179] : memref<12288xf32, #tpu.memory_space<vmem>> -> memref<6144xf32, #tpu.memory_space<vmem>>
      %dma_wait3A_180 = tpu.memref_slice %arg8[%mul3A_175] : memref<2752512xf32, #tpu.memory_space<hbm>> -> memref<6144xf32, #tpu.memory_space<hbm>>
      %dma_wait3A_181 = tpu.memref_slice %run_scoped3A_15[%rem3A_173] : memref<2x!tpu.dma_semaphore, #tpu.memory_space<semaphore_mem>> -> memref<1x!tpu.dma_semaphore, #tpu.memory_space<semaphore_mem>>
      %dma_wait3A_182 = tpu.memref_squeeze %dma_wait3A_181 : memref<1x!tpu.dma_semaphore, #tpu.memory_space<semaphore_mem>> -> memref<!tpu.dma_semaphore, #tpu.memory_space<semaphore_mem>>
      %dma_wait3A_183 = tpu.memref_slice %arg8[%mul3A_175] : memref<2752512xf32, #tpu.memory_space<hbm>> -> memref<6144xf32, #tpu.memory_space<hbm>>
      %dma_wait3A_184 = tpu.memref_slice %run_scoped3A_14[%add3A_179] : memref<12288xf32, #tpu.memory_space<vmem>> -> memref<6144xf32, #tpu.memory_space<vmem>>
      tpu.wait_dma2 semaphore(%dma_wait3A_182 : memref<!tpu.dma_semaphore, #tpu.memory_space<semaphore_mem>>) src(%dma_wait3A_184 : memref<6144xf32, #tpu.memory_space<vmem>>) dst(%dma_wait3A_183 : memref<6144xf32, #tpu.memory_space<hbm>>)
      "tpu.trace_stop"() : () -> ()
      tpu.yield
    }) : () -> ()
    return
  }
}

</mosaic_0001>

<sc_bundles>
// kernel: kernel.3.cloned.1.call-start
scs
__scs_entry_jumppad:
0x0: {  	(pc) =	sbr.rel $0x88, $3  }
0x1: {  	(tag) =	ssettag $0x0;
	lr =	simm.s32 $0x1  }
0x2: {  	[smem:$0x3F9A] =	sst lr;
	_ =	strace $0xD0000000  }
0x3: {  	_ = 	snop  }
0x4: {  	_ = 	snop  }
0x5: {  	_ = 	snop  }
0x6: {  	_ = 	snop  }
0x7: {  	_ = 	snop  }
__scs_overlays_trampoline_lowered:
0x8: {  	[smem:$0x3FA9] =	sst s0  }
0x9: {  	[smem:$0x3FAA] =	sst s1  }
0xa: {  	[smem:$0x3FAB] =	sst s2  }
0xb: {  	[smem:$0x3FAC] =	sst s3  }
0xc: {  	[smem:$0x3FAD] =	sst s4  }
0xd: {  	[smem:$0x3FAE] =	sst s5  }
0xe: {  	[smem:$0x3FAF] =	sst s6  }
0xf: {  	[smem:$0x3FB0] =	sst s7  }
0x10: {  	[smem:$0x3FB1] =	sst s8  }
0x11: {  	[smem:$0x3FB2] =	sst s9;
	s0 =	simm.s32 @!p0 $0x0  }
0x12: {  	s1 =	sld [smem:$0x3F98];
	s0 =	simm.s32 @p0 $0x1  }
0x13: {  	[smem:$0x3FB3] =	sst s0;
	s0 =	simm.s32 @!p1 $0x0  }
0x14: {  	s2 =	sld [smem:$0x3F97];
	s0 =	simm.s32 @p1 $0x1  }
0x15: {  	[smem:$0x3FB4] =	sst s0;
	s0 =	simm.s32 @!p2 $0x0  }
0x16: {  	s3 =	sld [smem:$0x3FDB];
	s0 =	simm.s32 @p2 $0x1  }
0x17: {  	s4 =	simm.s32 $0x1BF5;
	[smem:$0x3FB6] =	sst s0  }
0x18: {  	s0 =	sld [smem:$0x3F99];
	_ =	swait.ge [sflag:s4], $0x0  }
0x19: {  	s7 =	sld [smem:$0x3F9A]  }
0x1a: {  	s8 =	sadd.s32 $0xFFFFE003, lr  }
0x1b: {  	s9 =	sadd.s32 $0xFFFFFEF7, lr;
	s5 =	simm.s32 $0xFFFFFFFF;
	p2 =	slt.u32 s8, $0xFFFFF086  }
0x1c: {  	p1 =	slt.u32 s9, $0xF7A;
	s5 =	simm.s32 @!p2 $0x0  }
0x1d: {  	s5 =	simm.s32 @p1 $0x1;
	p0 =	seq.s32 s7, s2  }
0x1e: {  	s7 =	smul.u32 @!p0 $0xF7A, s2;
	p2 =	seq.s32 @!p0 s5, $0x0  }
0x1f: {  	s9 =	smul.u32 $0xF7A, s1;
	s8 =	simm.s32 @!p0 $0x1BF5;
	p2 =	por !p2, p0  }
0x20: {  	[sflag:s8] =	ssyncset.s32 @!p0 $0xFFFFF086;
	s6 =	sadd.s32 @!p0 s3, s7;
	s7 =	simm.s32 @!p0 $0x108  }
0x21: {  	s3 =	sadd.s32 s3, s9;
	s6 =	sadd.s32 @!p0 $0x88, s6;
	s7 =	simm.s32 @p2 $0x1082  }
0x22: {  	[simem:s7], [sflag:s8] =	dma.local @!p0 [hbm:s6], $0xF7A  }
0x23: {  	s9 =	sor.u32 $0xD0000000, s2;
	s6 =	simm.s32 $0x108;
	_ =	swait.ge @!p0 [sflag:s8], $0x0  }
0x24: {  	s3 =	sadd.s32 $0x88, s3;
	s6 =	simm.s32 @!p1 $0x1082;
	[sflag:s4] =	ssyncset.s32 $0xFFFFF086  }
0x25: {  	[simem:s6], [sflag:s4] =	dma.local [hbm:s3], $0xF7A  }
0x26: {  	[smem:$0x3F9A] =	sst s1;
	(tag) =	ssettag s2;
	_ =	strace s9  }
0x27: {  	s1 =	sld [smem:$0x3FAA]  }
0x28: {  	s2 =	sld [smem:$0x3FAB]  }
0x29: {  	s4 =	sld [smem:$0x3FAD]  }
0x2a: {  	p0 =	seq.s32 s5, $0x0;
	s5 =	sld [smem:$0x3FAE]  }
0x2b: {  	s6 =	sld [smem:$0x3FAF]  }
0x2c: {  	s7 =	sld [smem:$0x3FB0]  }
0x2d: {  	s3 =	simm.s32 $0x108;
	s8 =	sld [smem:$0x3FB1]  }
0x2e: {  	s3 =	simm.s32 @!p0 $0x1082;
	s9 =	sld [smem:$0x3FB2]  }
0x2f: {  	lr =	sadd.s32 s0, s3;
	s0 =	sld [smem:$0x3FA9]  }
0x30: {  	s3 =	sld [smem:$0x3FAC]  }
0x31: {  	[smem:$0x3FB5] =	sst s10  }
0x32: {  	s10 =	sld [smem:$0x3FB3];
	_ =	sdelay $0x3  }
0x33: {  	p0 =	seq.s32 s10, $0x1;
	s10 =	sld [smem:$0x3FB5];
	_ =	sdelay $0x3  }
0x34: {  	[smem:$0x3FB5] =	sst s10  }
0x35: {  	s10 =	sld [smem:$0x3FB4];
	_ =	sdelay $0x3  }
0x36: {  	p1 =	seq.s32 s10, $0x1;
	s10 =	sld [smem:$0x3FB5];
	_ =	sdelay $0x3  }
0x37: {  	[smem:$0x3FB5] =	sst s10  }
0x38: {  	s10 =	sld [smem:$0x3FB6]  }
0x39: {  	_ = 	snop;
	(pc) =	sbr.ind lr, $3  }
0x3a: {  	_ = 	snop  }
0x3b: {  	_ = 	snop  }
0x3c: {  	p2 =	seq.s32 s10, $0x1;
	s10 =	sld [smem:$0x3FB5]  }
0x3d: {  	_ =	shalt  }
0x3e: {  	_ =	shalt  }
0x3f: {  	_ =	shalt  }
0x40: {  	_ =	shalt  }
0x41: {  	_ =	shalt  }
0x42: {  	_ =	shalt  }
0x43: {  	_ =	shalt  }
0x44: {  	_ =	shalt  }
0x45: {  	_ =	shalt  }
0x46: {  	_ =	shalt  }
0x47: {  	_ =	shalt  }
0x48: {  	_ =	shalt  }
0x49: {  	_ =	shalt  }
0x4a: {  	_ =	shalt  }
0x4b: {  	_ =	shalt  }
0x4c: {  	_ =	shalt  }
0x4d: {  	_ =	shalt  }
0x4e: {  	_ =	shalt  }
0x4f: {  	_ =	shalt  }
0x50: {  	_ =	shalt  }
0x51: {  	_ =	shalt  }
0x52: {  	_ =	shalt  }
0x53: {  	_ =	shalt  }
0x54: {  	_ =	shalt  }
0x55: {  	_ =	shalt  }
0x56: {  	_ =	shalt  }
0x57: {  	_ =	shalt  }
0x58: {  	_ =	shalt  }
0x59: {  	_ =	shalt  }
0x5a: {  	_ =	shalt  }
0x5b: {  	_ =	shalt  }
0x5c: {  	_ =	shalt  }
0x5d: {  	_ =	shalt  }
0x5e: {  	_ =	shalt  }
0x5f: {  	_ =	shalt  }
0x60: {  	_ =	shalt  }
0x61: {  	_ =	shalt  }
0x62: {  	_ =	shalt  }
0x63: {  	_ =	shalt  }
0x64: {  	_ =	shalt  }
0x65: {  	_ =	shalt  }
0x66: {  	_ =	shalt  }
0x67: {  	_ =	shalt  }
0x68: {  	_ =	shalt  }
0x69: {  	_ =	shalt  }
0x6a: {  	_ =	shalt  }
0x6b: {  	_ =	shalt  }
0x6c: {  	_ =	shalt  }
0x6d: {  	_ =	shalt  }
0x6e: {  	_ =	shalt  }
0x6f: {  	_ =	shalt  }
0x70: {  	_ =	shalt  }
0x71: {  	_ =	shalt  }
0x72: {  	_ =	shalt  }
0x73: {  	_ =	shalt  }
0x74: {  	_ =	shalt  }
0x75: {  	_ =	shalt  }
0x76: {  	_ =	shalt  }
0x77: {  	_ =	shalt  }
0x78: {  	_ =	shalt  }
0x79: {  	_ =	shalt  }
0x7a: {  	_ =	shalt  }
0x7b: {  	_ =	shalt  }
0x7c: {  	_ =	shalt  }
0x7d: {  	_ =	shalt  }
0x7e: {  	_ =	shalt  }
0x7f: {  	_ =	shalt  }
0x80: {  	_ =	shalt  }
0x81: {  	_ =	shalt  }
0x82: {  	_ =	shalt  }
0x83: {  	_ =	shalt  }
0x84: {  	_ =	shalt  }
0x85: {  	_ =	shalt  }
0x86: {  	_ =	shalt  }
0x87: {  	_ =	shalt  }
.Lfunc_end0:
.L_simem_size_0:
called_computation_lowered:
.L_overlay_start_0:
0x88: {  	s2 =	sld [smem:$0x3FD9]  }
0x89: {  	s3 =	sld [smem:$0x3FFE];
	_ =	sdelay $0x1  }
0x8a: {  	s1 =	srdreg.scid  }
0x8b: {  	s0 =	sand.u32 $0x1, s1  }
0x8c: {  	s17 =	sshll.u32 s0, $0xA;
	s2 =	sadd.s32 s3, s2  }
0x8d: {  	s2 =	sadd.s32 s2, s17  }
0x8e: {  	[smem:$0x3FC1] =	sst s2  }
0x8f: {  	_ = 	snop  }
0x90: {  	s2 =	sld [smem:$0x3FC9]  }
0x91: {  	s18 =	sld [smem:$0x3FC8]  }
0x92: {  	s4 =	sld [smem:$0x3FC7]  }
0x93: {  	s5 =	sld [smem:$0x3FC6]  }
0x94: {  	s6 =	sld [smem:$0x3FD0];
	(tm) =	ssettm $0x1  }
0x95: {  	s7 =	sld [smem:$0x3FFB];
	_ =	sdelay $0x3  }
0x96: {  	_ =	strace s7  }
0x97: {  	s7 =	sld [smem:$0x3FFC];
	_ =	sdelay $0x3  }
0x98: {  	_ =	strace s7  }
0x99: {  	s7 =	sld [smem:$0x3FFD];
	_ =	sdelay $0x3  }
0x9a: {  	_ =	strace s7  }
0x9b: {  	_ =	strace $0x8FFFFFFF  }
0x9c: {  	s19 =	sld [smem:$0x3FDB];
	_ =	sdelay $0x1  }
0x9d: {  	s8 =	simm.s32 $_scs_section_size  }
0x9e: {  	s9 =	simm.s32 $_size__tile_overlayer_lowered;
	s10 =	simm.s32 $_tile_overlayer_lowered  }
0x9f: {  	s22 =	simm.s32 $0x1BFF;
	s21 =	sshll.u32 s10, $0x1;
	s7 =	sadd.s32 s8, s19  }
0xa0: {  	s11 =	simm.s32 $0x0;
	s20 =	sshll.u32 s9, $0x1;
	s9 =	sadd.s32 s21, s7  }
0xa1: {  	[timem:s11], [sflag:s22] =	dma.local [hbm:s9], s20  }
0xa2: {  	_ =	swait.ge [sflag:s22], s20  }
0xa3: {  	s8 =	ssub.s32 $0x0, s20;
	[sflag:s22] =	ssyncset.done $0x0  }
0xa4: {  	[sflag:s22] =	ssyncadd.s32 s8;
	_ =	sdelay $0x1  }
0xa5: {  	s23 =	simm.s32 $0x1B8B  }
0xa6: {  	_ =	swait.ge [sflag:s23], $0x1  }
0xa7: {  	[sflag:s23] =	ssyncset.done $0x0  }
0xa8: {  	s25 =	simm.s32 $0x1B8E;
	s24 =	sld [smem:$0x3FFE];
	[sflag:s23] =	ssyncadd.s32 $0xFFFFFFFF  }
0xa9: {  	s26 =	simm.s32 $execute0_lowered;
	[smem:$0x3FD2] =	sst s25  }
0xaa: {  	s9 =	sshll.u32 s26, $0x1;
	_ =	strace $0x80000046;
	[dreg:$0x1] =	wrdreg $0xFFFFFFFF  }
0xab: {  	s28 =	simm.s32 $_size_execute0_lowered;
	s7 =	sadd.s32 s7, s9;
	[dreg:$0x0] =	wrdreg $0x0  }
0xac: {  	s9 =	sshll.u32 s28, $0x1;
	[dreg:$0x2] =	wrdreg s7  }
0xad: {  	[dreg:$0x3] =	wrdreg s9  }
0xae: {  	[dreg:$0x4] =	wrdreg $0xC0  }
0xaf: {  	_ =	task [dreg:s11], $0x5FFFF  }
0xb0: {  	[dreg:$0x1] =	wrdreg $0xFFFFFFFF  }
0xb1: {  	[dreg:$0x0] =	wrdreg $0x60  }
0xb2: {  	[dreg:$0x2] =	wrdreg s6  }
0xb3: {  	[dreg:$0x3] =	wrdreg s24  }
0xb4: {  	[dreg:$0x4] =	wrdreg s2  }
0xb5: {  	[dreg:$0x5] =	wrdreg s4  }
0xb6: {  	[dreg:$0x6] =	wrdreg s5  }
0xb7: {  	[dreg:$0x7] =	wrdreg s18  }
0xb8: {  	[dreg:$0x8] =	wrdreg $0x9  }
0xb9: {  	_ =	task.clear_ibuf [dreg:s11], $0x9FFFF;
	_ =	strace $0x90000046  }
0xba: {  	s29 =	simm.s32 $0x9;
	_ =	strace $0x80000055  }
0xbb: {  	_ =	swait.ge [sflag:s29], $0x1  }
0xbc: {  	[sflag:s29] =	ssyncadd.s32 $0xFFFFFFFF  }
0xbd: {  	_ =	strace $0x90000055  }
0xbe: {  	_ =	sfence  }
0xbf: {  	s30 =	sld [smem:$0x0];
	_ =	sdelay $0x2  }
0xc0: {  	s31 =	sshll.u32 s1, $0xD;
	s1 =	sshrl.u32 s1, $0x2  }
0xc1: {  	s3 =	sand.u32 $0x4000, s31;
	s1 =	sadd.s32 s1, s30  }
0xc2: {  	s0 =	sor.u32 s3, s0;
	s1 =	sshll.u32 s1, $0x11  }
0xc3: {  	s0 =	sor.u32 s1, s0  }
0xc4: {  	s0 =	sadd.s32 $0x8F2B, s0  }
0xc5: {  	[sflag:s0] =	ssyncadd.remote.s32 $0x1  }
0xc6: {  	_ =	sfence.sel $0xFFFF  }
0xc7: {  	[dreg:$0x0] =	wrdreg $0xFFFFFFFF;
	(pc) =	sbr.abs _section_cstart, $3  }
0xc8: {  	[dreg:$0x1] =	wrdreg $0xFFFFFFFF  }
0xc9: {  	_ =	task.clear_ibuf [dreg:s11], $0x2FFFF;
	_ =	strace $0x9FFFFFFF  }
0xca: {  	(tm) =	ssettm $0x7FFFFFFF  }
0xcb: {  	_ =	shalt  }
tec
execute0_lowered:
.L_overlay_start_1:
0x0: {  	(tag) =	ssettag $0x1  }
0x1: {  	s0 =	rddreg [dreg:$0x1]  }
0x2: {  	s4 =	rddreg [dreg:$0x2]  }
0x3: {  	s5 =	rddreg [dreg:$0x3]  }
0x4: {  	s6 =	rddreg [dreg:$0x4]  }
0x5: {  	s8 =	rddreg [dreg:$0x5]  }
0x6: {  	s1 =	srdreg.scid;
	s7 =	simm.s32 $0x0;
	s3 =	stileid.u32  }
0x7: {  	s1 =	sand.u32 $0x1, s1;
	[smem:$0x7FF] =	sst s7;
	s9 =	sadd.s32 $0x400, s0  }
0x8: {  	s2 =	sshll.u32 s1, $0x4;
	_ =	strace $0x80000047;
	s1 =	ssub.s32 $0x2, s1  }
0x9: {  	[dreg:$0x7] =	wrdreg s9;
	s2 =	sor.u32 s3, s2;
	s26 =	sshrl.u32 s1, $0x1  }
0xa: {  	s9 =	sadd.s32 $0x600, s0;
	s3 =	smul.u32 $0x2A00, s2;
	s0 =	ssub.s32 s1, s26  }
0xb: {  	s0 =	smax.u32 s0, $0x1  }
0xc: {  	s28 =	sadd.s32 s4, s3;
	[dreg:$0xc] =	wrdreg s0  }
0xd: {  	s29 =	sadd.s32 s5, s3;
	[dreg:$0x8] =	wrdreg s28  }
0xe: {  	s30 =	sadd.s32 s6, s3;
	[dreg:$0x9] =	wrdreg s29  }
0xf: {  	s31 =	sadd.s32 s8, s3;
	[dreg:$0xa] =	wrdreg s30  }
0x10: {  	s10 =	smul.u32 $0xE, s2;
	s1 =	simm.s32 $0x0;
	[dreg:$0xb] =	wrdreg s31  }
.LBB2_1:
0x11: {  	[dreg:$0xd] =	wrdreg s1  }
0x12: {  	s0 =	rddreg [dreg:$0x0];
	s2 =	simm.s32 $0x1  }
0x13: {  	[tilespmem:s7], [sflag:$0x1] =	stream.linear.gather [hbm4b:s0+s7], $0x2400, $0x38;
	[tilespmem:$0x11410] =	vst v63  }
0x14: {  	_ =	swait.ge [sflag:s2], $0x2400  }
0x15: {  	[sflag:s2] =	ssyncset.done $0x0  }
0x16: {  	s19 =	simm.s32 $0x2400;
	s18 =	rddreg [dreg:$0x7];
	[sflag:s2] =	ssyncadd.s32 $0xFFFFDC00  }
0x17: {  	[tilespmem:s19], [sflag:$0x1] =	stream.linear.gather [hbm4b:s18+s7], $0x10, $0x38;
	[tilespmem:$0x11410] =	vst v63  }
0x18: {  	_ =	swait.ge [sflag:s2], $0x10  }
0x19: {  	[sflag:s2] =	ssyncset.done $0x0  }
0x1a: {  	s21 =	simm.s32 $0x2410;
	[sflag:s2] =	ssyncadd.s32 $0xFFFFFFF0  }
0x1b: {  	s23 =	simm.s32 $0x5410;
	s25 =	simm.s32 $0x8410;
	_ =	strace $0x80000048  }
0x1c: {  	s30 =	simm.s32 $0xB410;
	s28 =	simm.s32 $0x1;
	s20 =	rddreg [dreg:$0x8]  }
0x1d: {  	s29 =	simm.s32 $0x0;
	s31 =	simm.s32 $0x0;
	s22 =	rddreg [dreg:$0x9]  }
0x1e: {  	[tilespmem:s21], [sflag:$0x1] =	stream.linear.gather [hbm4b:s20+s7], $0x1800, $0x200038;
	[tilespmem:$0x11410] =	vst v63  }
0x1f: {  	s6 =	simm.s32 $0x0;
	s15 =	simm.s32 $0x1;
	s24 =	rddreg [dreg:$0xa]  }
0x20: {  	[tilespmem:s23], [sflag:$0x3] =	stream.linear.gather [hbm4b:s22+s7], $0x1800, $0x200038;
	[tilespmem:$0x11410] =	vst v63  }
0x21: {  	s16 =	simm.s32 $0x0;
	s18 =	simm.s32 $0x0;
	s26 =	rddreg [dreg:$0xb]  }
0x22: {  	[tilespmem:s25], [sflag:$0x5] =	stream.linear.gather [hbm4b:s24+s7], $0x1800, $0x200038;
	[tilespmem:$0x11410] =	vst v63  }
0x23: {  	s21 =	simm.s32 $0x1;
	s22 =	simm.s32 $0x1;
	s24 =	simm.s32 $0x0  }
0x24: {  	[tilespmem:s30], [sflag:$0x7] =	stream.linear.gather [hbm4b:s26+s7], $0x1800, $0x200038;
	[tilespmem:$0x11410] =	vst v63  }
0x25: {  	s25 =	simm.s32 $0x0;
	s26 =	simm.s32 $0x0;
	_ =	strace $0x90000048  }
.LBB2_2:
0x26: {  	s17 =	sadd.s32 $0x1, s18  }
0x27: {  	p0 =	seq.s32 s17, $0xE  }
0x28: {  	s17 =	simm.s32 @p0 $0x0;
	p0 =	seq.s32 s16, $0xD  }
0x29: {  	p1 =	seq.s32 @!p0 s18, s17  }
0x2a: {  	p2 =	por p1, p0  }
0x2b: {  	s1 =	sand.u32 @!p2 $0x1, s15  }
0x2c: {  	s2 =	sadd.s32 @!p2 s10, s17;
	s3 =	smul.u32 @!p2 $0x6000, s1  }
0x2d: {  	s2 =	smul.u32 @!p2 $0x1800, s2  }
0x2e: {  	_ =	strace @!p2 $0x80000049;
	s4 =	sadd.s32 @!p2 $0x1, s1  }
0x2f: {  	s1 =	rddreg [dreg:$0x2];
	s3 =	sshrl.u32 @!p2 s3, $0x2;
	s2 =	sshrl.u32 @!p2 s2, $0x3  }
0x30: {  	s8 =	simm.s32 @!p2 $0x0;
	s3 =	sor.u32 @!p2 $0x2410, s3;
	s5 =	sadd.s32 @!p2 s1, s2  }
0x31: {  	[tilespmem:s3], [sflag:s4] =	stream.linear.gather @!p2 [hbm4b:s5+s8], $0x1800, $0x200038;
	[tilespmem:$0x11410] =	vst v63  }
0x32: {  	s3 =	sand.u32 @!p2 $0x1, s22  }
0x33: {  	s4 =	smul.u32 @!p2 $0x6000, s3;
	_ =	strace @!p2 $0x90000049  }
0x34: {  	_ =	strace @!p2 $0x8000004A  }
0x35: {  	s4 =	sshrl.u32 @!p2 s4, $0x2;
	s5 =	rddreg [dreg:$0x3]  }
0x36: {  	s3 =	sadd.s32 @!p2 $0x3, s3;
	s4 =	sadd.s32 @!p2 $0x5410, s4;
	s5 =	sadd.s32 @!p2 s5, s2  }
0x37: {  	[tilespmem:s4], [sflag:s3] =	stream.linear.gather @!p2 [hbm4b:s5+s8], $0x1800, $0x200038;
	[tilespmem:$0x11410] =	vst v63  }
0x38: {  	s3 =	sand.u32 @!p2 $0x1, s21  }
0x39: {  	s4 =	smul.u32 @!p2 $0x6000, s3;
	_ =	strace @!p2 $0x9000004A  }
0x3a: {  	_ =	strace @!p2 $0x8000004B  }
0x3b: {  	s4 =	sshrl.u32 @!p2 s4, $0x2;
	s5 =	rddreg [dreg:$0x4]  }
0x3c: {  	s3 =	sadd.s32 @!p2 $0x5, s3;
	s4 =	sor.u32 @!p2 $0x8410, s4;
	s5 =	sadd.s32 @!p2 s5, s2  }
0x3d: {  	[tilespmem:s4], [sflag:s3] =	stream.linear.gather @!p2 [hbm4b:s5+s8], $0x1800, $0x200038;
	[tilespmem:$0x11410] =	vst v63  }
0x3e: {  	s3 =	sand.u32 @!p2 $0x1, s28  }
0x3f: {  	s4 =	smul.u32 @!p2 $0x6000, s3;
	_ =	strace @!p2 $0x9000004B  }
0x40: {  	_ =	strace @!p2 $0x8000004C  }
0x41: {  	s4 =	sshrl.u32 @!p2 s4, $0x2;
	s5 =	rddreg [dreg:$0x5]  }
0x42: {  	s3 =	sadd.s32 @!p2 $0x7, s3;
	s4 =	sadd.s32 @!p2 $0xB410, s4;
	s2 =	sadd.s32 @!p2 s5, s2  }
0x43: {  	[tilespmem:s4], [sflag:s3] =	stream.linear.gather @!p2 [hbm4b:s2+s8], $0x1800, $0x200038;
	[tilespmem:$0x11410] =	vst v63  }
0x44: {  	s23 =	sand.u32 $0x1, s6;
	_ =	strace @!p2 $0x9000004C  }
0x45: {  	s5 =	sadd.s32 $0x1, s23;
	_ =	strace $0x8000004D  }
0x46: {  	_ =	swait.ge [sflag:s5], $0x1800  }
0x47: {  	[sflag:s5] =	ssyncset.done $0x0  }
0x48: {  	[sflag:s5] =	ssyncadd.s32 $0xFFFFE800  }
0x49: {  	s8 =	sand.u32 $0x1, s31;
	_ =	strace $0x9000004D  }
0x4a: {  	s12 =	sadd.s32 $0x3, s8;
	_ =	strace $0x8000004E  }
0x4b: {  	_ =	swait.ge [sflag:s12], $0x1800  }
0x4c: {  	[sflag:s12] =	ssyncset.done $0x0  }
0x4d: {  	[sflag:s12] =	ssyncadd.s32 $0xFFFFE800  }
0x4e: {  	s13 =	sand.u32 $0x1, s29;
	_ =	strace $0x9000004E  }
0x4f: {  	s14 =	sadd.s32 $0x5, s13;
	_ =	strace $0x8000004F  }
0x50: {  	_ =	swait.ge [sflag:s14], $0x1800  }
0x51: {  	[sflag:s14] =	ssyncset.done $0x0  }
0x52: {  	[sflag:s14] =	ssyncadd.s32 $0xFFFFE800  }
0x53: {  	s11 =	sand.u32 $0x1, s26;
	_ =	strace $0x9000004F  }
0x54: {  	s19 =	sadd.s32 $0x7, s11;
	_ =	strace $0x80000050  }
0x55: {  	_ =	swait.ge [sflag:s19], $0x1800  }
0x56: {  	[sflag:s19] =	ssyncset.done $0x0  }
0x57: {  	p3 =	seq.s32 s23, $0x1;
	[sflag:s19] =	ssyncadd.s32 $0xFFFFE800  }
0x58: {  	s4 =	simm.s32 $0x6D10;
	s5 =	simm.s32 $0x3D10;
	_ =	strace $0x90000050  }
0x59: {  	p4 =	seq.s32 s8, $0x1;
	s5 =	simm.s32 @!p3 $0x2510;
	_ =	strace $0x80000051  }
0x5a: {  	s4 =	simm.s32 @!p4 $0x5510;
	v0 =	vld [tilespmem:s5+$0x80]  }
0x5b: {  	v1 =	vld [tilespmem:s4+$0x80]  }
0x5c: {  	s3 =	simm.s32 $0x9D10;
	p3 =	seq.s32 s13, $0x1  }
0x5d: {  	s3 =	simm.s32 @!p3 $0x8510  }
0x5e: {  	v2 =	vld [tilespmem:s3+$0x80];
	_ =	sdelay $0x1  }
0x5f: {  	v0 =	vmul.u32 $0xA8, v0;
	v1 =	vmul.u32 $0x18, v1  }
0x60: {  	s23 =	simm.s32 $0xCD10;
	p3 =	seq.s32 s11, $0x1  }
0x61: {  	s23 =	simm.s32 @!p3 $0xB510;
	v0 =	vadd.s32 v0, v1  }
0x62: {  	v1 =	vadd.s32 v2, v0;
	v2 =	vld [tilespmem:s23+$0x80];
	_ =	sdelay $0x2  }
0x63: {  	v0 =	vld [tilespmem:$0x2400];
	_ =	sdelay $0x1  }
0x64: {  	v1 =	vld.idx.msk [tilespmem:v1+s7+$0x0], $0xffff;
	v2 =	vadd.s32 $0xFFFFF821, v2  }
0x65: {  	v3 =	vld [tilespmem:s4+$0xFFFFFF00];
	v2 =	vcvt.s32.f32 v2  }
0x66: {  	s19 =	sand.u32 $0x1, s25;
	v4 =	vld [tilespmem:s5+$0xFFFFFF80]  }
0x67: {  	s20 =	smul.u32 $0x6000, s19;
	v5 =	vld [tilespmem:s5+$0xFFFFFF00];
	v2 =	vmul.f32 v2, v0  }
0x68: {  	v6 =	vld [tilespmem:s4+$0xFFFFFF80]  }
0x69: {  	s2 =	sshrl.u32 s20, $0x2;
	v7 =	vld [tilespmem:s5+$0x0];
	v1 =	vadd.f32 v2, v1  }
0x6a: {  	s20 =	sor.u32 $0xE510, s2;
	v2 =	vld [tilespmem:s3+$0xFFFFFF00]  }
0x6b: {  	v8 =	vld [tilespmem:s3+$0xFFFFFF80];
	[tilespmem:s20+$0x80] =	vst v1  }
0x6c: {  	v1 =	vmul.u32 $0x18, v3;
	v3 =	vmul.u32 $0xA8, v5;
	v5 =	vld [tilespmem:s5+$0x90]  }
0x6d: {  	v9 =	vld [tilespmem:s4+$0x90]  }
0x6e: {  	v10 =	vld [tilespmem:s4+$0x0];
	v1 =	vadd.s32 v3, v1  }
0x6f: {  	v3 =	vmul.u32 $0xA8, v4;
	v4 =	vmul.u32 $0x18, v6;
	v6 =	vld [tilespmem:s23+$0xFFFFFF00];
	v1 =	vadd.s32 v2, v1  }
0x70: {  	v2 =	vld [tilespmem:s3+$0x90]  }
0x71: {  	v11 =	vld [tilespmem:s23+$0xFFFFFF80];
	v3 =	vadd.s32 v3, v4  }
0x72: {  	v4 =	vld [tilespmem:s3+$0x0];
	v3 =	vadd.s32 v8, v3;
	v5 =	vmul.u32 $0xA8, v5;
	v8 =	vmul.u32 $0x18, v9;
	_ =	sdelay $0x1  }
0x73: {  	v7 =	vmul.u32 $0xA8, v7;
	v9 =	vmul.u32 $0x18, v10;
	v1 =	vld.idx.msk [tilespmem:v1+s7+$0x0], $0xffff;
	v5 =	vadd.s32 v5, v8  }
0x74: {  	v6 =	vadd.s32 $0xFFFFF821, v6;
	v2 =	vadd.s32 v2, v5;
	v5 =	vld [tilespmem:s23+$0x90]  }
0x75: {  	v7 =	vadd.s32 v7, v9;
	v8 =	vld [tilespmem:s23+$0x0];
	v6 =	vcvt.s32.f32 v6  }
0x76: {  	v4 =	vadd.s32 v4, v7;
	v7 =	vadd.s32 $0xFFFFF821, v11;
	v3 =	vld.idx.msk [tilespmem:v3+s7+$0x0], $0xffff  }
0x77: {  	v7 =	vcvt.s32.f32 v7;
	v6 =	vmul.f32 v6, v0;
	_ =	sdelay $0x1  }
0x78: {  	v7 =	vmul.f32 v7, v0;
	v1 =	vadd.f32 v6, v1;
	v2 =	vld.idx.msk [tilespmem:v2+s7+$0x0], $0xffff;
	v5 =	vadd.s32 $0xFFFFF821, v5  }
0x79: {  	v5 =	vcvt.s32.f32 v5  }
0x7a: {  	v6 =	vadd.s32 $0xFFFFF821, v8;
	v4 =	vld.idx.msk [tilespmem:v4+s7+$0x0], $0xffff;
	v3 =	vadd.f32 v7, v3;
	[tilespmem:s20+$0xFFFFFF00] =	vst v1  }
0x7b: {  	v1 =	vcvt.s32.f32 v6;
	v6 =	vld [tilespmem:s5+$0xFFFFFF10];
	v5 =	vmul.f32 v5, v0  }
0x7c: {  	[tilespmem:s20+$0xFFFFFF80] =	vst v3;
	v3 =	vld [tilespmem:s4+$0xFFFFFF10]  }
0x7d: {  	v1 =	vmul.f32 v1, v0;
	v7 =	vld [tilespmem:s5+$0xFFFFFF90];
	v2 =	vadd.f32 v5, v2  }
0x7e: {  	v9 =	vld [tilespmem:s3+$0xFFFFFF90]  }
0x7f: {  	v1 =	vadd.f32 v1, v4;
	v4 =	vld [tilespmem:s3+$0xFFFFFF10];
	[tilespmem:s20+$0x90] =	vst v2  }
0x80: {  	v2 =	vld [tilespmem:s5+$0xA0]  }
0x81: {  	[tilespmem:s20+$0x0] =	vst v1;
	v1 =	vld [tilespmem:s4+$0xA0]  }
0x82: {  	v5 =	vld [tilespmem:s4+$0xFFFFFF90]  }
0x83: {  	v6 =	vmul.u32 $0xA8, v6;
	v8 =	vld [tilespmem:s5+$0x10];
	v3 =	vmul.u32 $0x18, v3  }
0x84: {  	v10 =	vld [tilespmem:s3+$0xA0]  }
0x85: {  	v11 =	vld [tilespmem:s4+$0x10];
	v3 =	vadd.s32 v6, v3  }
0x86: {  	v6 =	vld [tilespmem:s23+$0xFFFFFF10];
	v3 =	vadd.s32 v4, v3;
	v2 =	vmul.u32 $0xA8, v2;
	v1 =	vmul.u32 $0x18, v1  }
0x87: {  	v7 =	vmul.u32 $0xA8, v7;
	v5 =	vmul.u32 $0x18, v5  }
0x88: {  	v4 =	vld [tilespmem:s3+$0x10];
	v1 =	vadd.s32 v2, v1  }
0x89: {  	v5 =	vadd.s32 v7, v5;
	v2 =	vld [tilespmem:s23+$0xA0];
	v1 =	vadd.s32 v10, v1  }
0x8a: {  	v7 =	vld [tilespmem:s23+$0xFFFFFF90];
	v5 =	vadd.s32 v9, v5;
	v8 =	vmul.u32 $0xA8, v8;
	v9 =	vmul.u32 $0x18, v11  }
0x8b: {  	v6 =	vadd.s32 $0xFFFFF821, v6;
	v3 =	vld.idx.msk [tilespmem:v3+s7+$0x0], $0xffff  }
0x8c: {  	v8 =	vadd.s32 v8, v9;
	v6 =	vcvt.s32.f32 v6  }
0x8d: {  	v9 =	vld [tilespmem:s23+$0x10];
	v4 =	vadd.s32 v4, v8  }
0x8e: {  	v6 =	vmul.f32 v6, v0;
	v2 =	vadd.s32 $0xFFFFF821, v2;
	v1 =	vld.idx.msk [tilespmem:v1+s7+$0x0], $0xffff  }
0x8f: {  	v2 =	vcvt.s32.f32 v2  }
0x90: {  	v7 =	vadd.s32 $0xFFFFF821, v7;
	v5 =	vld.idx.msk [tilespmem:v5+s7+$0x0], $0xffff;
	v3 =	vadd.f32 v6, v3  }
0x91: {  	v7 =	vcvt.s32.f32 v7;
	v2 =	vmul.f32 v2, v0  }
0x92: {  	v4 =	vld.idx.msk [tilespmem:v4+s7+$0x0], $0xffff;
	[tilespmem:s20+$0xFFFFFF10] =	vst v3  }
0x93: {  	v7 =	vmul.f32 v7, v0;
	v3 =	vadd.s32 $0xFFFFF821, v9;
	v6 =	vld [tilespmem:s5+$0xFFFFFF20];
	v1 =	vadd.f32 v2, v1  }
0x94: {  	v8 =	vld [tilespmem:s3+$0xFFFFFF20];
	v2 =	vcvt.s32.f32 v3  }
0x95: {  	v5 =	vadd.f32 v7, v5;
	v3 =	vld [tilespmem:s4+$0xFFFFFF20];
	[tilespmem:s20+$0xA0] =	vst v1  }
0x96: {  	v1 =	vmul.f32 v2, v0;
	v2 =	vld [tilespmem:s5+$0xB0]  }
0x97: {  	[tilespmem:s20+$0xFFFFFF90] =	vst v5;
	v7 =	vld [tilespmem:s4+$0xB0]  }
0x98: {  	v5 =	vld [tilespmem:s5+$0xFFFFFFA0];
	v1 =	vadd.f32 v1, v4  }
0x99: {  	v4 =	vld [tilespmem:s4+$0xFFFFFFA0]  }
0x9a: {  	[tilespmem:s20+$0x10] =	vst v1;
	v1 =	vld [tilespmem:s3+$0xB0]  }
0x9b: {  	v11 =	vld [tilespmem:s3+$0xFFFFFFA0];
	v6 =	vmul.u32 $0xA8, v6;
	v3 =	vmul.u32 $0x18, v3  }
0x9c: {  	v9 =	vld [tilespmem:s5+$0x20];
	v2 =	vmul.u32 $0xA8, v2;
	v7 =	vmul.u32 $0x18, v7  }
0x9d: {  	v10 =	vld [tilespmem:s4+$0x20];
	v3 =	vadd.s32 v6, v3  }
0x9e: {  	v6 =	vld [tilespmem:s23+$0xFFFFFF20];
	v3 =	vadd.s32 v8, v3;
	v2 =	vadd.s32 v2, v7  }
0x9f: {  	v5 =	vmul.u32 $0xA8, v5;
	v4 =	vmul.u32 $0x18, v4;
	v1 =	vadd.s32 v1, v2;
	v2 =	vld [tilespmem:s23+$0xB0]  }
0xa0: {  	v7 =	vld [tilespmem:s3+$0x20]  }
0xa1: {  	v4 =	vadd.s32 v5, v4  }
0xa2: {  	v5 =	vmul.u32 $0xA8, v9;
	v8 =	vmul.u32 $0x18, v10;
	v4 =	vadd.s32 v11, v4;
	v9 =	vld [tilespmem:s23+$0xFFFFFFA0]  }
0xa3: {  	v6 =	vadd.s32 $0xFFFFF821, v6;
	v3 =	vld.idx.msk [tilespmem:v3+s7+$0x0], $0xffff  }
0xa4: {  	v6 =	vcvt.s32.f32 v6;
	v5 =	vadd.s32 v5, v8;
	v1 =	vld.idx.msk [tilespmem:v1+s7+$0x0], $0xffff;
	v2 =	vadd.s32 $0xFFFFF821, v2  }
0xa5: {  	v5 =	vadd.s32 v7, v5;
	v2 =	vcvt.s32.f32 v2  }
0xa6: {  	v8 =	vld [tilespmem:s23+$0x20];
	v6 =	vmul.f32 v6, v0  }
0xa7: {  	v4 =	vld.idx.msk [tilespmem:v4+s7+$0x0], $0xffff;
	v7 =	vadd.s32 $0xFFFFF821, v9;
	v2 =	vmul.f32 v2, v0  }
0xa8: {  	v7 =	vcvt.s32.f32 v7;
	v3 =	vadd.f32 v6, v3  }
0xa9: {  	v1 =	vadd.f32 v2, v1  }
0xaa: {  	v5 =	vld.idx.msk [tilespmem:v5+s7+$0x0], $0xffff;
	v6 =	vmul.f32 v7, v0;
	[tilespmem:s20+$0xFFFFFF20] =	vst v3  }
0xab: {  	v2 =	vadd.s32 $0xFFFFF821, v8;
	v3 =	vld [tilespmem:s5+$0xFFFFFF30];
	[tilespmem:s20+$0xB0] =	vst v1  }
0xac: {  	v2 =	vcvt.s32.f32 v2;
	v1 =	vadd.f32 v6, v4;
	v4 =	vld [tilespmem:s5+$0xC0]  }
0xad: {  	v6 =	vld [tilespmem:s4+$0xC0]  }
0xae: {  	v9 =	vld [tilespmem:s3+$0xFFFFFF30];
	v2 =	vmul.f32 v2, v0  }
0xaf: {  	v7 =	vld [tilespmem:s3+$0xC0]  }
0xb0: {  	[tilespmem:s20+$0xFFFFFFA0] =	vst v1;
	v1 =	vld [tilespmem:s4+$0xFFFFFF30];
	v2 =	vadd.f32 v2, v5  }
0xb1: {  	v5 =	vld [tilespmem:s5+$0xFFFFFFB0]  }
0xb2: {  	v8 =	vld [tilespmem:s4+$0xFFFFFFB0];
	[tilespmem:s20+$0x20] =	vst v2;
	v4 =	vmul.u32 $0xA8, v4;
	v6 =	vmul.u32 $0x18, v6  }
0xb3: {  	v2 =	vld [tilespmem:s5+$0x30]  }
0xb4: {  	v10 =	vld [tilespmem:s4+$0x30];
	v4 =	vadd.s32 v4, v6  }
0xb5: {  	v3 =	vmul.u32 $0xA8, v3;
	v1 =	vmul.u32 $0x18, v1;
	v6 =	vld [tilespmem:s23+$0xC0];
	v4 =	vadd.s32 v7, v4  }
0xb6: {  	v7 =	vld [tilespmem:s3+$0xFFFFFFB0]  }
0xb7: {  	v1 =	vadd.s32 v3, v1;
	v3 =	vld [tilespmem:s3+$0x30]  }
0xb8: {  	v11 =	vld [tilespmem:s23+$0xFFFFFF30];
	v5 =	vmul.u32 $0xA8, v5;
	v8 =	vmul.u32 $0x18, v8;
	v1 =	vadd.s32 v9, v1  }
0xb9: {  	v2 =	vmul.u32 $0xA8, v2;
	v9 =	vmul.u32 $0x18, v10  }
0xba: {  	v5 =	vadd.s32 v5, v8;
	v6 =	vadd.s32 $0xFFFFF821, v6;
	v4 =	vld.idx.msk [tilespmem:v4+s7+$0x0], $0xffff  }
0xbb: {  	v2 =	vadd.s32 v2, v9;
	v5 =	vadd.s32 v7, v5;
	v6 =	vcvt.s32.f32 v6  }
0xbc: {  	v8 =	vld [tilespmem:s23+$0xFFFFFFB0];
	v2 =	vadd.s32 v3, v2  }
0xbd: {  	v3 =	vadd.s32 $0xFFFFF821, v11;
	v1 =	vld.idx.msk [tilespmem:v1+s7+$0x0], $0xffff;
	v6 =	vmul.f32 v6, v0  }
0xbe: {  	v7 =	vld [tilespmem:s23+$0x30];
	v3 =	vcvt.s32.f32 v3  }
0xbf: {  	v4 =	vadd.f32 v6, v4  }
0xc0: {  	v3 =	vmul.f32 v3, v0;
	v5 =	vld.idx.msk [tilespmem:v5+s7+$0x0], $0xffff  }
0xc1: {  	v6 =	vadd.s32 $0xFFFFF821, v8;
	v2 =	vld.idx.msk [tilespmem:v2+s7+$0x0], $0xffff;
	[tilespmem:s20+$0xC0] =	vst v4  }
0xc2: {  	v6 =	vcvt.s32.f32 v6;
	v1 =	vadd.f32 v3, v1;
	v3 =	vld [tilespmem:s5+$0xD0]  }
0xc3: {  	s12 =	sadd.s32 $0x200, s4;
	v4 =	vadd.s32 $0xFFFFF821, v7;
	v7 =	vld [tilespmem:s4+$0xD0]  }
0xc4: {  	v15 =	vld [tilespmem:s12+$0x80];
	v4 =	vcvt.s32.f32 v4;
	v6 =	vmul.f32 v6, v0  }
0xc5: {  	v17 =	vld [tilespmem:s12+$0xFFFFFF00]  }
0xc6: {  	[tilespmem:s20+$0xFFFFFF30] =	vst v1;
	v1 =	vmul.f32 v4, v0;
	v4 =	vadd.f32 v6, v5;
	v6 =	vld [tilespmem:s3+$0xD0]  }
0xc7: {  	v5 =	vld [tilespmem:s5+$0xFFFFFF40]  }
0xc8: {  	[tilespmem:s20+$0xFFFFFFB0] =	vst v4;
	v1 =	vadd.f32 v1, v2;
	v2 =	vld [tilespmem:s4+$0xFFFFFF40];
	v3 =	vmul.u32 $0xA8, v3;
	v7 =	vmul.u32 $0x18, v7  }
0xc9: {  	v4 =	vld [tilespmem:s5+$0xFFFFFFC0]  }
0xca: {  	[tilespmem:s20+$0x30] =	vst v1;
	v1 =	vld [tilespmem:s4+$0xFFFFFFC0];
	v3 =	vadd.s32 v3, v7  }
0xcb: {  	v3 =	vadd.s32 v6, v3;
	v6 =	vld [tilespmem:s23+$0xD0]  }
0xcc: {  	v7 =	vld [tilespmem:s3+$0xFFFFFF40]  }
0xcd: {  	v9 =	vld [tilespmem:s3+$0xFFFFFFC0]  }
0xce: {  	v8 =	vld [tilespmem:s5+$0x40];
	v5 =	vmul.u32 $0xA8, v5;
	v2 =	vmul.u32 $0x18, v2  }
0xcf: {  	v10 =	vld [tilespmem:s4+$0x40];
	v4 =	vmul.u32 $0xA8, v4;
	v1 =	vmul.u32 $0x18, v1  }
0xd0: {  	s13 =	sadd.s32 $0x200, s3;
	v2 =	vadd.s32 v5, v2;
	v3 =	vld.idx.msk [tilespmem:v3+s7+$0x0], $0xffff;
	v5 =	vadd.s32 $0xFFFFF821, v6  }
0xd1: {  	v18 =	vld [tilespmem:s13+$0x80];
	v2 =	vadd.s32 v7, v2;
	v1 =	vadd.s32 v4, v1;
	v5 =	vcvt.s32.f32 v5  }
0xd2: {  	v4 =	vld [tilespmem:s23+$0xFFFFFF40];
	v1 =	vadd.s32 v9, v1  }
0xd3: {  	v11 =	vld [tilespmem:s3+$0x40];
	v5 =	vmul.f32 v5, v0  }
0xd4: {  	v6 =	vmul.u32 $0xA8, v8;
	v8 =	vld [tilespmem:s23+$0xFFFFFFC0]  }
0xd5: {  	v7 =	vmul.u32 $0x18, v10;
	v9 =	vld [tilespmem:s23+$0x40];
	v3 =	vadd.f32 v5, v3  }
0xd6: {  	v2 =	vld.idx.msk [tilespmem:v2+s7+$0x0], $0xffff  }
0xd7: {  	v6 =	vadd.s32 v6, v7;
	v4 =	vadd.s32 $0xFFFFF821, v4;
	v1 =	vld.idx.msk [tilespmem:v1+s7+$0x0], $0xffff;
	[tilespmem:s20+$0xD0] =	vst v3  }
0xd8: {  	v5 =	vadd.s32 v11, v6;
	v4 =	vcvt.s32.f32 v4;
	v6 =	vld [tilespmem:s5+$0xE0]  }
0xd9: {  	s8 =	sadd.s32 $0x200, s5;
	v3 =	vadd.s32 $0xFFFFF821, v8;
	v7 =	vld [tilespmem:s4+$0xE0]  }
0xda: {  	v20 =	vld [tilespmem:s8+$0xFFFFFF80];
	v3 =	vcvt.s32.f32 v3;
	v4 =	vmul.f32 v4, v0  }
0xdb: {  	v21 =	vld [tilespmem:s12+$0xFFFFFF80];
	v8 =	vadd.s32 $0xFFFFF821, v9  }
0xdc: {  	v3 =	vmul.f32 v3, v0;
	v2 =	vadd.f32 v4, v2;
	v4 =	vcvt.s32.f32 v8;
	v8 =	vld [tilespmem:s3+$0xE0]  }
0xdd: {  	s14 =	sadd.s32 $0x200, s23;
	v22 =	vld [tilespmem:s8+$0x0]  }
0xde: {  	v55 =	vld [tilespmem:s14+$0x80];
	v1 =	vadd.f32 v3, v1;
	v3 =	vmul.u32 $0xA8, v6;
	v6 =	vmul.u32 $0x18, v7  }
0xdf: {  	v5 =	vld.idx.msk [tilespmem:v5+s7+$0x0], $0xffff  }
0xe0: {  	v57 =	vld [tilespmem:s8+$0xFFFFFF00];
	v3 =	vadd.s32 v3, v6  }
0xe1: {  	v6 =	vld [tilespmem:s23+$0xE0];
	v3 =	vadd.s32 v8, v3  }
0xe2: {  	v23 =	vld [tilespmem:s13+$0xFFFFFF00];
	[tilespmem:s20+$0xFFFFFF40] =	vst v2;
	v2 =	vmul.f32 v4, v0  }
0xe3: {  	v61 =	vld [tilespmem:s13+$0x0]  }
0xe4: {  	v62 =	vld [tilespmem:s14+$0xFFFFFF00];
	v2 =	vadd.f32 v2, v5  }
0xe5: {  	v24 =	vld [tilespmem:s14+$0xFFFFFF80]  }
0xe6: {  	[tilespmem:s20+$0x40] =	vst v2;
	v2 =	vld.idx.msk [tilespmem:v3+s7+$0x0], $0xffff;
	v3 =	vadd.s32 $0xFFFFF821, v6  }
0xe7: {  	v25 =	vld [tilespmem:s14+$0x0];
	v3 =	vcvt.s32.f32 v3  }
0xe8: {  	v4 =	vld [tilespmem:s5+$0xFFFFFF50]  }
0xe9: {  	v10 =	vld [tilespmem:s3+$0xFFFFFF50];
	[tilespmem:s20+$0xFFFFFFC0] =	vst v1;
	v13 =	vmul.f32 v3, v0  }
0xea: {  	v5 =	vld [tilespmem:s5+$0xFFFFFFD0]  }
0xeb: {  	v2 =	vadd.f32 v13, v2;
	v13 =	vld [tilespmem:s8+$0x80]  }
0xec: {  	v7 =	vld [tilespmem:s4+$0xFFFFFFD0]  }
0xed: {  	v1 =	vld [tilespmem:s4+$0xFFFFFF50]  }
0xee: {  	v12 =	vld [tilespmem:s23+$0xFFFFFF50]  }
0xef: {  	v6 =	vld [tilespmem:s3+$0xFFFFFFD0];
	[tilespmem:s20+$0xE0] =	vst v2  }
0xf0: {  	v15 =	vmul.u32 $0x18, v15;
	v2 =	vld [tilespmem:s5+$0xF0];
	v13 =	vmul.u32 $0xA8, v13  }
0xf1: {  	v5 =	vmul.u32 $0xA8, v5;
	v7 =	vmul.u32 $0x18, v7;
	v16 =	vld [tilespmem:s4+$0xF0]  }
0xf2: {  	v14 =	vld [tilespmem:s23+$0xFFFFFFD0];
	v4 =	vmul.u32 $0xA8, v4;
	v1 =	vmul.u32 $0x18, v1;
	v13 =	vadd.s32 v13, v15  }
0xf3: {  	v60 =	vmul.u32 $0xA8, v57;
	v8 =	vld [tilespmem:s5+$0x50];
	v5 =	vadd.s32 v5, v7;
	v13 =	vadd.s32 v18, v13  }
0xf4: {  	v1 =	vadd.s32 v4, v1;
	v5 =	vadd.s32 v6, v5;
	v6 =	vmul.u32 $0x18, v17;
	v19 =	vld [tilespmem:s3+$0xF0]  }
0xf5: {  	v9 =	vld [tilespmem:s4+$0x50];
	v7 =	vadd.s32 v10, v1  }
0xf6: {  	v11 =	vld [tilespmem:s3+$0x50];
	v6 =	vadd.s32 v60, v6;
	v2 =	vmul.u32 $0xA8, v2;
	v16 =	vmul.u32 $0x18, v16  }
0xf7: {  	v6 =	vadd.s32 v23, v6;
	v15 =	vld [tilespmem:s12+$0x0]  }
0xf8: {  	v10 =	vadd.s32 $0xFFFFF821, v55;
	v2 =	vadd.s32 v2, v16;
	v4 =	vld.idx.msk [tilespmem:v13+s7+$0x0], $0xffff  }
0xf9: {  	v10 =	vcvt.s32.f32 v10;
	v56 =	vadd.s32 v19, v2;
	v13 =	vld [tilespmem:s13+$0xFFFFFF80]  }
0xfa: {  	v3 =	vld [tilespmem:s23+$0x50]  }
0xfb: {  	v58 =	vmul.u32 $0xA8, v20;
	v59 =	vmul.u32 $0x18, v21;
	v10 =	vmul.f32 v10, v0;
	v7 =	vld.idx.msk [tilespmem:v7+s7+$0x0], $0xffff  }
0xfc: {  	v63 =	vmul.u32 $0xA8, v22;
	v8 =	vmul.u32 $0xA8, v8;
	v6 =	vld.idx.msk [tilespmem:v6+s7+$0x0], $0xffff;
	v15 =	vmul.u32 $0x18, v15  }
0xfd: {  	v9 =	vmul.u32 $0x18, v9;
	v16 =	vadd.s32 v58, v59;
	v2 =	vld [tilespmem:s23+$0xF0];
	v4 =	vadd.f32 v10, v4  }
0xfe: {  	s11 =	sadd.s32 $0x200, s20;
	v12 =	vadd.s32 $0xFFFFF821, v12;
	v1 =	vld.idx.msk [tilespmem:v56+s7+$0x0], $0xffff;
	v10 =	vadd.s32 v13, v16;
	v13 =	vadd.s32 v63, v15  }
0xff: {  	[tilespmem:s11+$0x80] =	vst v4;
	v4 =	vld.idx.msk [tilespmem:v5+s7+$0x0], $0xffff;
	v5 =	vadd.s32 v8, v9;
	v8 =	vcvt.s32.f32 v12;
	v9 =	vadd.s32 v61, v13  }
0x100: {  	v12 =	vld [tilespmem:s8+$0x90];
	v5 =	vadd.s32 v11, v5  }
0x101: {  	v11 =	vadd.s32 $0xFFFFF821, v14;
	v13 =	vld [tilespmem:s12+$0x90];
	v8 =	vmul.f32 v8, v0  }
0x102: {  	v14 =	vadd.s32 $0xFFFFF821, v62;
	v26 =	vld [tilespmem:s13+$0x90];
	v11 =	vcvt.s32.f32 v11  }
0x103: {  	v14 =	vcvt.s32.f32 v14;
	v10 =	vld.idx.msk [tilespmem:v10+s7+$0x0], $0xffff;
	v7 =	vadd.f32 v8, v7  }
0x104: {  	v11 =	vmul.f32 v11, v0;
	v9 =	vld.idx.msk [tilespmem:v9+s7+$0x0], $0xffff  }
0x105: {  	v15 =	vadd.s32 $0xFFFFF821, v24;
	v14 =	vmul.f32 v14, v0;
	[tilespmem:s20+$0xFFFFFF50] =	vst v7;
	v5 =	vld.idx.msk [tilespmem:v5+s7+$0x0], $0xffff  }
0x106: {  	v4 =	vadd.f32 v11, v4;
	v11 =	vmul.u32 $0xA8, v12;
	v12 =	vmul.u32 $0x18, v13;
	v13 =	vld [tilespmem:s5+$0xFFFFFF60]  }
0x107: {  	v8 =	vcvt.s32.f32 v15;
	v32 =	vld [tilespmem:s3+$0xFFFFFF60]  }
0x108: {  	v7 =	vadd.s32 $0xFFFFF821, v25;
	[tilespmem:s20+$0xFFFFFFD0] =	vst v4;
	v4 =	vadd.f32 v14, v6;
	v6 =	vadd.s32 v11, v12;
	v11 =	vld [tilespmem:s4+$0xFFFFFF60]  }
0x109: {  	v8 =	vmul.f32 v8, v0;
	v7 =	vcvt.s32.f32 v7;
	v12 =	vld [tilespmem:s5+$0xFFFFFFE0]  }
0x10a: {  	v30 =	vld [tilespmem:s4+$0xFFFFFFE0]  }
0x10b: {  	v8 =	vadd.f32 v8, v10;
	v6 =	vadd.s32 v26, v6;
	v7 =	vmul.f32 v7, v0;
	[tilespmem:s11+$0xFFFFFF00] =	vst v4;
	v4 =	vld [tilespmem:s14+$0x90]  }
0x10c: {  	v10 =	vld [tilespmem:s8+$0xFFFFFF10]  }
0x10d: {  	[tilespmem:s11+$0xFFFFFF80] =	vst v8;
	v8 =	vld [tilespmem:s12+$0xFFFFFF10];
	v7 =	vadd.f32 v7, v9  }
0x10e: {  	v9 =	vld [tilespmem:s8+$0xFFFFFF90]  }
0x10f: {  	[tilespmem:s11+$0x0] =	vst v7;
	v7 =	vld [tilespmem:s12+$0xFFFFFF90]  }
0x110: {  	v6 =	vld.idx.msk [tilespmem:v6+s7+$0x0], $0xffff;
	v4 =	vadd.s32 $0xFFFFF821, v4  }
0x111: {  	v14 =	vld [tilespmem:s8+$0x10];
	v4 =	vcvt.s32.f32 v4  }
0x112: {  	v15 =	vld [tilespmem:s12+$0x10]  }
0x113: {  	v27 =	vld [tilespmem:s13+$0xFFFFFF10];
	v4 =	vmul.f32 v4, v0  }
0x114: {  	v3 =	vadd.s32 $0xFFFFF821, v3;
	v28 =	vld [tilespmem:s13+$0xFFFFFF90];
	v10 =	vmul.u32 $0xA8, v10;
	v8 =	vmul.u32 $0x18, v8  }
0x115: {  	v3 =	vcvt.s32.f32 v3;
	v29 =	vld [tilespmem:s13+$0x10];
	v7 =	vmul.u32 $0x18, v7;
	v4 =	vadd.f32 v4, v6  }
0x116: {  	v8 =	vadd.s32 v10, v8;
	v10 =	vmul.u32 $0xA8, v14;
	v14 =	vld [tilespmem:s14+$0xFFFFFF90];
	v6 =	vmul.u32 $0xA8, v9  }
0x117: {  	v3 =	vmul.f32 v3, v0;
	v15 =	vmul.u32 $0x18, v15;
	v9 =	vld [tilespmem:s14+$0xFFFFFF10];
	[tilespmem:s11+$0x90] =	vst v4  }
0x118: {  	v13 =	vmul.u32 $0xA8, v13;
	v4 =	vadd.s32 v6, v7;
	v6 =	vadd.s32 v27, v8;
	v7 =	vld [tilespmem:s8+$0xA0]  }
0x119: {  	v11 =	vmul.u32 $0x18, v11;
	v8 =	vadd.s32 v10, v15;
	v4 =	vadd.s32 v28, v4;
	v10 =	vld [tilespmem:s12+$0xA0]  }
0x11a: {  	v39 =	vld [tilespmem:s23+$0xFFFFFFE0]  }
0x11b: {  	v3 =	vadd.f32 v3, v5;
	v11 =	vadd.s32 v13, v11;
	v15 =	vld [tilespmem:s14+$0x10]  }
0x11c: {  	v11 =	vadd.s32 v32, v11;
	v31 =	vld [tilespmem:s13+$0xA0]  }
0x11d: {  	[tilespmem:s20+$0x50] =	vst v3;
	v8 =	vadd.s32 v29, v8;
	v3 =	vadd.s32 $0xFFFFF821, v9;
	v9 =	vadd.s32 $0xFFFFF821, v14;
	v5 =	vld.idx.msk [tilespmem:v6+s7+$0x0], $0xffff  }
0x11e: {  	v3 =	vcvt.s32.f32 v3;
	v4 =	vld.idx.msk [tilespmem:v4+s7+$0x0], $0xffff;
	v6 =	vmul.u32 $0xA8, v7;
	v7 =	vmul.u32 $0x18, v10  }
0x11f: {  	v33 =	vld [tilespmem:s3+$0x60];
	v9 =	vcvt.s32.f32 v9  }
0x120: {  	v40 =	vld [tilespmem:s23+$0x60];
	v3 =	vmul.f32 v3, v0;
	v6 =	vadd.s32 v6, v7  }
0x121: {  	v14 =	vld [tilespmem:s14+$0xA0];
	v9 =	vmul.f32 v9, v0;
	v6 =	vadd.s32 v31, v6  }
0x122: {  	v15 =	vadd.s32 $0xFFFFF821, v15;
	v8 =	vld.idx.msk [tilespmem:v8+s7+$0x0], $0xffff;
	v3 =	vadd.f32 v3, v5  }
0x123: {  	v11 =	vld.idx.msk [tilespmem:v11+s7+$0x0], $0xffff;
	v15 =	vcvt.s32.f32 v15;
	v4 =	vadd.f32 v9, v4  }
0x124: {  	v5 =	vld [tilespmem:s3+$0xFFFFFFE0];
	[tilespmem:s11+$0xFFFFFF10] =	vst v3  }
0x125: {  	v15 =	vmul.f32 v15, v0;
	[tilespmem:s11+$0xFFFFFF90] =	vst v4;
	v4 =	vld [tilespmem:s12+$0xFFFFFF20]  }
0x126: {  	v3 =	vld.idx.msk [tilespmem:v6+s7+$0x0], $0xffff  }
0x127: {  	v9 =	vadd.s32 $0xFFFFF821, v14;
	v8 =	vadd.f32 v15, v8;
	v6 =	vld [tilespmem:s8+$0xFFFFFF20]  }
0x128: {  	v9 =	vcvt.s32.f32 v9;
	v14 =	vld [tilespmem:s8+$0xFFFFFFA0]  }
0x129: {  	[tilespmem:s11+$0x10] =	vst v8;
	v8 =	vld [tilespmem:s12+$0xFFFFFFA0]  }
0x12a: {  	v9 =	vmul.f32 v9, v0;
	v15 =	vld [tilespmem:s8+$0x20]  }
0x12b: {  	v34 =	vld [tilespmem:s12+$0x20]  }
0x12c: {  	v35 =	vld [tilespmem:s13+$0xFFFFFFA0];
	v3 =	vadd.f32 v9, v3  }
0x12d: {  	v9 =	vld [tilespmem:s13+$0xFFFFFF20]  }
0x12e: {  	v38 =	vld [tilespmem:s14+$0xFFFFFFA0];
	v14 =	vmul.u32 $0xA8, v14;
	v8 =	vmul.u32 $0x18, v8;
	[tilespmem:s11+$0xA0] =	vst v3  }
0x12f: {  	v4 =	vmul.u32 $0x18, v4;
	v3 =	vmul.u32 $0xA8, v6;
	v6 =	vld [tilespmem:s8+$0xB0]  }
0x130: {  	v12 =	vmul.u32 $0xA8, v12;
	v8 =	vadd.s32 v14, v8;
	v36 =	vld [tilespmem:s12+$0xB0]  }
0x131: {  	v16 =	vmul.u32 $0x18, v30;
	v14 =	vld [tilespmem:s14+$0xFFFFFF20];
	v8 =	vadd.s32 v35, v8;
	v3 =	vadd.s32 v3, v4  }
0x132: {  	v4 =	vld [tilespmem:s13+$0x20];
	v3 =	vadd.s32 v9, v3  }
0x133: {  	v12 =	vadd.s32 v12, v16;
	v37 =	vld [tilespmem:s13+$0xB0];
	v9 =	vmul.u32 $0xA8, v15;
	v15 =	vmul.u32 $0x18, v34  }
0x134: {  	v10 =	vld [tilespmem:s4+$0x60];
	v5 =	vadd.s32 v5, v12;
	v12 =	vadd.s32 $0xFFFFF821, v38  }
0x135: {  	v9 =	vadd.s32 v9, v15;
	v15 =	vld [tilespmem:s14+$0x20];
	v6 =	vmul.u32 $0xA8, v6;
	v21 =	vmul.u32 $0x18, v36  }
0x136: {  	v12 =	vcvt.s32.f32 v12;
	v8 =	vld.idx.msk [tilespmem:v8+s7+$0x0], $0xffff  }
0x137: {  	v13 =	vadd.s32 $0xFFFFF821, v14;
	v4 =	vadd.s32 v4, v9;
	v3 =	vld.idx.msk [tilespmem:v3+s7+$0x0], $0xffff;
	v6 =	vadd.s32 v6, v21  }
0x138: {  	v14 =	vld [tilespmem:s14+$0xB0];
	v13 =	vcvt.s32.f32 v13;
	v6 =	vadd.s32 v37, v6  }
0x139: {  	v7 =	vld [tilespmem:s5+$0x60];
	v12 =	vmul.f32 v12, v0  }
0x13a: {  	v5 =	vld.idx.msk [tilespmem:v5+s7+$0x0], $0xffff;
	v13 =	vmul.f32 v13, v0  }
0x13b: {  	v9 =	vld [tilespmem:s23+$0xFFFFFF60];
	v8 =	vadd.f32 v12, v8  }
0x13c: {  	v15 =	vadd.s32 $0xFFFFF821, v15;
	v4 =	vld.idx.msk [tilespmem:v4+s7+$0x0], $0xffff;
	v3 =	vadd.f32 v13, v3  }
0x13d: {  	v15 =	vcvt.s32.f32 v15;
	v13 =	vadd.s32 $0xFFFFF821, v14;
	[tilespmem:s11+$0xFFFFFFA0] =	vst v8;
	v6 =	vld.idx.msk [tilespmem:v6+s7+$0x0], $0xffff  }
0x13e: {  	[tilespmem:s11+$0xFFFFFF20] =	vst v3;
	v3 =	vcvt.s32.f32 v13;
	v13 =	vld [tilespmem:s8+$0xFFFFFFB0]  }
0x13f: {  	v14 =	vmul.f32 v15, v0;
	v12 =	vld [tilespmem:s8+$0xFFFFFF30]  }
0x140: {  	v8 =	vld [tilespmem:s12+$0xFFFFFF30]  }
0x141: {  	v41 =	vld [tilespmem:s13+$0xFFFFFF30];
	v4 =	vadd.f32 v14, v4;
	v3 =	vmul.f32 v3, v0  }
0x142: {  	v43 =	vld [tilespmem:s14+$0xFFFFFF30]  }
0x143: {  	v14 =	vld [tilespmem:s12+$0xFFFFFFB0];
	[tilespmem:s11+$0x20] =	vst v4;
	v3 =	vadd.f32 v3, v6  }
0x144: {  	v10 =	vmul.u32 $0x18, v10;
	v7 =	vmul.u32 $0xA8, v7;
	v9 =	vadd.s32 $0xFFFFF821, v9;
	v4 =	vld [tilespmem:s8+$0x30]  }
0x145: {  	v9 =	vcvt.s32.f32 v9;
	v6 =	vld [tilespmem:s12+$0x30];
	[tilespmem:s11+$0xB0] =	vst v3  }
0x146: {  	v7 =	vadd.s32 v7, v10;
	v3 =	vld [tilespmem:s8+$0xC0]  }
0x147: {  	v9 =	vmul.f32 v9, v0;
	v10 =	vmul.u32 $0xA8, v12;
	v8 =	vmul.u32 $0x18, v8;
	v15 =	vld [tilespmem:s12+$0xC0]  }
0x148: {  	v7 =	vadd.s32 v33, v7;
	v12 =	vld [tilespmem:s13+$0xFFFFFFB0]  }
0x149: {  	v9 =	vadd.f32 v9, v11;
	v8 =	vadd.s32 v10, v8;
	v10 =	vmul.u32 $0x18, v14;
	v14 =	vld [tilespmem:s13+$0x30]  }
0x14a: {  	v13 =	vmul.u32 $0xA8, v13;
	v42 =	vld [tilespmem:s13+$0xC0]  }
0x14b: {  	[tilespmem:s20+$0xFFFFFF60] =	vst v9;
	v11 =	vld [tilespmem:s14+$0x30];
	v8 =	vadd.s32 v41, v8;
	v4 =	vmul.u32 $0xA8, v4;
	v6 =	vmul.u32 $0x18, v6  }
0x14c: {  	v51 =	vld [tilespmem:s23+$0xFFFFFF70];
	v10 =	vadd.s32 v13, v10;
	v3 =	vmul.u32 $0xA8, v3;
	v15 =	vmul.u32 $0x18, v15  }
0x14d: {  	v9 =	vld [tilespmem:s14+$0xC0];
	v10 =	vadd.s32 v12, v10;
	v12 =	vadd.s32 $0xFFFFF821, v39;
	v4 =	vadd.s32 v4, v6  }
0x14e: {  	v6 =	vld.idx.msk [tilespmem:v7+s7+$0x0], $0xffff;
	v7 =	vcvt.s32.f32 v12;
	v4 =	vadd.s32 v14, v4;
	v3 =	vadd.s32 v3, v15  }
0x14f: {  	v13 =	vld [tilespmem:s14+$0xFFFFFFB0];
	v12 =	vadd.s32 $0xFFFFF821, v40;
	v3 =	vadd.s32 v42, v3  }
0x150: {  	v14 =	vld [tilespmem:s5+$0xFFFFFF70];
	v12 =	vcvt.s32.f32 v12;
	v7 =	vmul.f32 v7, v0  }
0x151: {  	v8 =	vld.idx.msk [tilespmem:v8+s7+$0x0], $0xffff;
	v15 =	vadd.s32 $0xFFFFF821, v43  }
0x152: {  	v12 =	vmul.f32 v12, v0;
	v10 =	vld.idx.msk [tilespmem:v10+s7+$0x0], $0xffff;
	v5 =	vadd.f32 v7, v5;
	v7 =	vcvt.s32.f32 v15  }
0x153: {  	v9 =	vadd.s32 $0xFFFFF821, v9;
	v4 =	vld.idx.msk [tilespmem:v4+s7+$0x0], $0xffff  }
0x154: {  	v6 =	vadd.f32 v12, v6;
	v12 =	vadd.s32 $0xFFFFF821, v13;
	[tilespmem:s20+$0xFFFFFFE0] =	vst v5;
	v5 =	vmul.f32 v7, v0;
	v3 =	vld.idx.msk [tilespmem:v3+s7+$0x0], $0xffff  }
0x155: {  	v7 =	vcvt.s32.f32 v9;
	v9 =	vld [tilespmem:s4+$0xFFFFFF70];
	v12 =	vcvt.s32.f32 v12  }
0x156: {  	v13 =	vld [tilespmem:s5+$0xFFFFFFF0];
	v5 =	vadd.f32 v5, v8  }
0x157: {  	[tilespmem:s20+$0x60] =	vst v6;
	v50 =	vld [tilespmem:s3+$0xFFFFFFF0];
	v6 =	vmul.f32 v7, v0;
	v12 =	vmul.f32 v12, v0  }
0x158: {  	v7 =	vld [tilespmem:s4+$0xFFFFFFF0];
	[tilespmem:s11+$0xFFFFFF30] =	vst v5  }
0x159: {  	v11 =	vadd.s32 $0xFFFFF821, v11;
	v10 =	vadd.f32 v12, v10;
	v12 =	vld [tilespmem:s12+$0xFFFFFF40];
	v3 =	vadd.f32 v6, v3  }
0x15a: {  	v46 =	vld [tilespmem:s13+$0xFFFFFF40];
	v6 =	vcvt.s32.f32 v11  }
0x15b: {  	v11 =	vld [tilespmem:s8+$0xFFFFFF40];
	[tilespmem:s11+$0xC0] =	vst v3  }
0x15c: {  	v3 =	vmul.f32 v6, v0;
	v6 =	vld [tilespmem:s8+$0xD0]  }
0x15d: {  	[tilespmem:s11+$0xFFFFFFB0] =	vst v10;
	v10 =	vld [tilespmem:s12+$0xD0]  }
0x15e: {  	v15 =	vld [tilespmem:s12+$0xFFFFFFC0];
	v3 =	vadd.f32 v3, v4  }
0x15f: {  	v4 =	vld [tilespmem:s8+$0xFFFFFFC0]  }
0x160: {  	[tilespmem:s11+$0x30] =	vst v3;
	v3 =	vld [tilespmem:s13+$0xD0]  }
0x161: {  	v44 =	vld [tilespmem:s8+$0x40]  }
0x162: {  	v45 =	vld [tilespmem:s12+$0x40];
	v6 =	vmul.u32 $0xA8, v6;
	v10 =	vmul.u32 $0x18, v10  }
0x163: {  	v47 =	vld [tilespmem:s13+$0xFFFFFFC0]  }
0x164: {  	v6 =	vadd.s32 v6, v10;
	v10 =	vmul.u32 $0xA8, v11;
	v11 =	vmul.u32 $0x18, v12;
	v12 =	vld [tilespmem:s13+$0x40]  }
0x165: {  	v3 =	vadd.s32 v3, v6;
	v6 =	vmul.u32 $0x18, v15;
	v15 =	vld [tilespmem:s14+$0xD0]  }
0x166: {  	v8 =	vld [tilespmem:s5+$0x70];
	v4 =	vmul.u32 $0xA8, v4  }
0x167: {  	v5 =	vld [tilespmem:s4+$0x70];
	v10 =	vadd.s32 v10, v11;
	v11 =	vmul.u32 $0xA8, v44;
	v17 =	vmul.u32 $0x18, v45  }
0x168: {  	v48 =	vld [tilespmem:s14+$0xFFFFFF40];
	v4 =	vadd.s32 v4, v6;
	v6 =	vadd.s32 v46, v10  }
0x169: {  	v49 =	vld [tilespmem:s14+$0x40];
	v4 =	vadd.s32 v47, v4;
	v11 =	vadd.s32 v11, v17  }
0x16a: {  	v11 =	vadd.s32 v12, v11;
	v3 =	vld.idx.msk [tilespmem:v3+s7+$0x0], $0xffff;
	v12 =	vadd.s32 $0xFFFFF821, v15  }
0x16b: {  	v10 =	vld [tilespmem:s14+$0xFFFFFFC0];
	v12 =	vcvt.s32.f32 v12  }
0x16c: {  	v15 =	vld [tilespmem:s3+$0xFFFFFF70]  }
0x16d: {  	v6 =	vld.idx.msk [tilespmem:v6+s7+$0x0], $0xffff;
	v12 =	vmul.f32 v12, v0  }
0x16e: {  	v4 =	vld.idx.msk [tilespmem:v4+s7+$0x0], $0xffff  }
0x16f: {  	v16 =	vadd.s32 $0xFFFFF821, v48;
	v11 =	vld.idx.msk [tilespmem:v11+s7+$0x0], $0xffff;
	v3 =	vadd.f32 v12, v3  }
0x170: {  	v2 =	vadd.s32 $0xFFFFF821, v2;
	v16 =	vcvt.s32.f32 v16;
	v12 =	vld [tilespmem:s3+$0x70]  }
0x171: {  	v2 =	vcvt.s32.f32 v2;
	v10 =	vadd.s32 $0xFFFFF821, v10;
	[tilespmem:s11+$0xD0] =	vst v3;
	v3 =	vld [tilespmem:s23+$0xFFFFFFF0]  }
0x172: {  	v16 =	vmul.f32 v16, v0;
	v10 =	vcvt.s32.f32 v10;
	v52 =	vld [tilespmem:s8+$0xE0]  }
0x173: {  	v2 =	vmul.f32 v2, v0;
	v14 =	vmul.u32 $0xA8, v14;
	v9 =	vmul.u32 $0x18, v9;
	v53 =	vld [tilespmem:s12+$0xE0]  }
0x174: {  	v10 =	vmul.f32 v10, v0;
	v6 =	vadd.f32 v16, v6;
	v54 =	vld [tilespmem:s13+$0xE0]  }
0x175: {  	v58 =	vadd.f32 v2, v1;
	v1 =	vadd.s32 v14, v9;
	v18 =	vadd.s32 $0xFFFFF821, v49;
	v9 =	vld [tilespmem:s14+$0xE0]  }
0x176: {  	v18 =	vcvt.s32.f32 v18;
	v4 =	vadd.f32 v10, v4;
	[tilespmem:s11+$0xFFFFFF40] =	vst v6;
	v6 =	vld [tilespmem:s23+$0x70]  }
0x177: {  	v8 =	vmul.u32 $0xA8, v8;
	v5 =	vmul.u32 $0x18, v5;
	v10 =	vld [tilespmem:s8+$0xFFFFFF50]  }
0x178: {  	v18 =	vmul.f32 v18, v0;
	[tilespmem:s11+$0xFFFFFFC0] =	vst v4;
	v4 =	vld [tilespmem:s12+$0xFFFFFF50]  }
0x179: {  	v5 =	vadd.s32 v8, v5;
	v8 =	vld [tilespmem:s13+$0xFFFFFF50];
	v16 =	vmul.u32 $0xA8, v52;
	v20 =	vmul.u32 $0x18, v53  }
0x17a: {  	v11 =	vadd.f32 v18, v11;
	v60 =	vld [tilespmem:s14+$0xFFFFFF50]  }
0x17b: {  	v13 =	vmul.u32 $0xA8, v13;
	v7 =	vmul.u32 $0x18, v7;
	v55 =	vld [tilespmem:s8+$0xFFFFFFD0];
	v16 =	vadd.s32 v16, v20  }
0x17c: {  	v2 =	vadd.s32 $0xFFFFF821, v51;
	[tilespmem:s11+$0x40] =	vst v11;
	v11 =	vld [tilespmem:s12+$0xFFFFFFD0];
	v16 =	vadd.s32 v54, v16  }
0x17d: {  	v2 =	vcvt.s32.f32 v2;
	v7 =	vadd.s32 v13, v7;
	v56 =	vld [tilespmem:s8+$0x50]  }
0x17e: {  	v7 =	vadd.s32 v50, v7;
	v13 =	vadd.s32 v15, v1;
	v57 =	vld [tilespmem:s12+$0x50];
	v1 =	vadd.s32 $0xFFFFF821, v3  }
0x17f: {  	s0 =	smov.u32 s15;
	s30 =	smov.u32 s21;
	v15 =	vadd.s32 v12, v5;
	v14 =	vld [tilespmem:s13+$0xFFFFFFD0];
	v3 =	vcvt.s32.f32 v1;
	v1 =	vmul.f32 v2, v0  }
0x180: {  	p1 =	por !p1, p0;
	s1 =	smov.u32 s22;
	s5 =	sadd.s32 @!p2 $0x1, s21;
	v59 =	vld [tilespmem:s13+$0x50];
	v9 =	vadd.s32 $0xFFFFF821, v9;
	v5 =	vmul.u32 $0xA8, v10;
	v4 =	vmul.u32 $0x18, v4  }
0x181: {  	s21 =	smov.u32 @p1 s5;
	s5 =	sadd.s32 $0x200, s8;
	s4 =	sadd.s32 @!p2 $0x1, s22;
	v2 =	vadd.s32 $0xFFFFF821, v6;
	v6 =	vmul.u32 $0xA8, v55;
	v12 =	vmul.u32 $0x18, v11;
	v10 =	vld.idx.msk [tilespmem:v16+s7+$0x0], $0xffff  }
0x182: {  	s21 =	smov.u32 @p0 s30;
	s30 =	smov.u32 s12;
	s22 =	smov.u32 @p1 s4;
	v61 =	vcvt.s32.f32 v2;
	v11 =	vld [tilespmem:s14+$0xFFFFFFD0];
	v2 =	vadd.s32 v5, v4;
	v4 =	vcvt.s32.f32 v9  }
0x183: {  	s4 =	simm.s32 $0x200;
	s22 =	smov.u32 @p0 s1;
	s1 =	sor.u32 $0xE410, s2;
	v9 =	vmul.u32 $0xA8, v56;
	v62 =	vmul.u32 $0x18, v57;
	v6 =	vadd.s32 v6, v12;
	v12 =	vld [tilespmem:s14+$0x50]  }
0x184: {  	[tilespmem:s20+$0xF0] =	vst v58;
	s2 =	smov.u32 s14;
	s3 =	sadd.s32 @!p2 $0x1, s15;
	s23 =	simm.s32 $0x0;
	v5 =	vld.idx.msk [tilespmem:v13+s7+$0x0], $0xffff;
	v13 =	vadd.s32 $0xFFFFF821, v60;
	v8 =	vadd.s32 v8, v2;
	v63 =	vmul.f32 v4, v0  }
0x185: {  	s15 =	smov.u32 @p1 s3;
	s3 =	smov.u32 s13;
	s23 =	simm.s32 @p1 $0x1;
	v2 =	vmul.f32 v3, v0;
	v4 =	vadd.s32 v9, v62;
	v9 =	vadd.s32 v14, v6;
	v6 =	vld.idx.msk [tilespmem:v7+s7+$0x0], $0xffff  }
0x186: {  	s15 =	smov.u32 @p0 s0;
	s0 =	sadd.s32 s10, s18;
	s23 =	simm.s32 @p0 $0x0;
	v3 =	vmul.f32 v61, v0;
	v7 =	vld.idx.msk [tilespmem:v15+s7+$0x0], $0xffff;
	v4 =	vadd.s32 v59, v4;
	v10 =	vadd.f32 v63, v10  }
.LBB2_3:
0x187: {  	v14 =	vld [tilespmem:s5+$0x80];
	v13 =	vcvt.s32.f32 v13;
	v11 =	vadd.s32 $0xFFFFF821, v11;
	s12 =	sadd.s32 $0x200, s12  }
0x188: {  	v15 =	vld [tilespmem:s12+$0x80];
	v11 =	vcvt.s32.f32 v11;
	v12 =	vadd.s32 $0xFFFFF821, v12;
	[tilespmem:s11+$0xE0] =	vst v10  }
0x189: {  	v10 =	vmul.f32 v13, v0;
	v12 =	vcvt.s32.f32 v12;
	v13 =	vld [tilespmem:s8+$0xF0]  }
0x18a: {  	v5 =	vadd.f32 v1, v5;
	v11 =	vmul.f32 v11, v0;
	v16 =	vld [tilespmem:s30+$0xF0]  }
0x18b: {  	s13 =	sadd.s32 $0x200, s13;
	v2 =	vadd.f32 v2, v6;
	v17 =	vld [tilespmem:s12+$0xFFFFFF00];
	v1 =	vmul.f32 v12, v0  }
0x18c: {  	v3 =	vadd.f32 v3, v7;
	v6 =	vld [tilespmem:s13+$0x80];
	[tilespmem:s20+$0xFFFFFF70] =	vst v5  }
0x18d: {  	v5 =	vld [tilespmem:s3+$0xF0];
	[tilespmem:s20+$0xFFFFFFF0] =	vst v2  }
0x18e: {  	v7 =	vmul.u32 $0xA8, v14;
	v12 =	vmul.u32 $0x18, v15;
	v2 =	vld [tilespmem:s5+$0xFFFFFF80];
	[tilespmem:s20+$0x70] =	vst v3;
	s20 =	smov.u32 s11  }
0x18f: {  	v13 =	vmul.u32 $0xA8, v13;
	v3 =	vld [tilespmem:s12+$0xFFFFFF80];
	v14 =	vmul.u32 $0x18, v16  }
0x190: {  	s4 =	sadd.s32 $0x200, s4;
	v7 =	vadd.s32 v7, v12;
	v15 =	vmul.u32 $0x18, v17;
	v16 =	vld [tilespmem:s5+$0x0]  }
0x191: {  	s14 =	sadd.s32 $0x200, s14;
	p1 =	slt.u32 s4, $0x1600;
	v12 =	vld [tilespmem:s12+$0x0];
	v6 =	vadd.s32 v6, v7;
	v7 =	vadd.s32 v13, v14  }
0x192: {  	v13 =	vld [tilespmem:s14+$0x80];
	v5 =	vadd.s32 v5, v7  }
0x193: {  	v2 =	vmul.u32 $0xA8, v2;
	v7 =	vld [tilespmem:s2+$0xF0]  }
0x194: {  	v14 =	vld [tilespmem:s5+$0xFFFFFF00];
	v3 =	vmul.u32 $0x18, v3  }
0x195: {  	v17 =	vld [tilespmem:s13+$0xFFFFFF00];
	v16 =	vmul.u32 $0xA8, v16  }
0x196: {  	v2 =	vadd.s32 v2, v3;
	v3 =	vmul.u32 $0x18, v12;
	v6 =	vld.idx.msk [tilespmem:v6+s7+$0x0], $0xffff  }
0x197: {  	v12 =	vadd.s32 $0xFFFFF821, v13;
	v5 =	vld.idx.msk [tilespmem:v5+s7+$0x0], $0xffff  }
0x198: {  	v13 =	vld [tilespmem:s13+$0xFFFFFF80];
	v3 =	vadd.s32 v16, v3;
	v12 =	vcvt.s32.f32 v12;
	v7 =	vadd.s32 $0xFFFFF821, v7  }
0x199: {  	v14 =	vmul.u32 $0xA8, v14;
	v16 =	vld [tilespmem:s13+$0x0];
	v7 =	vcvt.s32.f32 v7  }
0x19a: {  	v18 =	vld [tilespmem:s14+$0xFFFFFF00];
	v12 =	vmul.f32 v12, v0  }
0x19b: {  	v14 =	vadd.s32 v14, v15;
	v15 =	vld [tilespmem:s14+$0xFFFFFF80];
	v7 =	vmul.f32 v7, v0  }
0x19c: {  	v14 =	vadd.s32 v17, v14;
	v17 =	vld [tilespmem:s14+$0x0];
	v6 =	vadd.f32 v12, v6  }
0x19d: {  	s11 =	sadd.s32 $0x200, s11;
	v2 =	vadd.s32 v13, v2;
	v8 =	vld.idx.msk [tilespmem:v8+s7+$0x0], $0xffff;
	v5 =	vadd.f32 v7, v5  }
0x19e: {  	v3 =	vadd.s32 v16, v3;
	[tilespmem:s11+$0x80] =	vst v6;
	v6 =	vld.idx.msk [tilespmem:v9+s7+$0x0], $0xffff  }
0x19f: {  	v7 =	vadd.s32 $0xFFFFF821, v18;
	v9 =	vld [tilespmem:s5+$0x90];
	[tilespmem:s20+$0xF0] =	vst v5  }
0x1a0: {  	v5 =	vcvt.s32.f32 v7;
	v7 =	vadd.s32 $0xFFFFF821, v15;
	v12 =	vld [tilespmem:s12+$0x90]  }
0x1a1: {  	v13 =	vld.idx.msk [tilespmem:v14+s7+$0x0], $0xffff;
	v7 =	vcvt.s32.f32 v7;
	v14 =	vadd.s32 $0xFFFFF821, v17  }
0x1a2: {  	v5 =	vmul.f32 v5, v0;
	v2 =	vld.idx.msk [tilespmem:v2+s7+$0x0], $0xffff;
	v14 =	vcvt.s32.f32 v14  }
0x1a3: {  	v8 =	vadd.f32 v10, v8;
	v7 =	vmul.f32 v7, v0;
	v15 =	vld [tilespmem:s13+$0x90]  }
0x1a4: {  	v6 =	vadd.f32 v11, v6;
	v3 =	vld.idx.msk [tilespmem:v3+s7+$0x0], $0xffff;
	v10 =	vmul.f32 v14, v0  }
0x1a5: {  	v9 =	vmul.u32 $0xA8, v9;
	v11 =	vmul.u32 $0x18, v12;
	[tilespmem:s20+$0xFFFFFF50] =	vst v8;
	v4 =	vld.idx.msk [tilespmem:v4+s7+$0x0], $0xffff  }
0x1a6: {  	v8 =	vld [tilespmem:s8+$0xFFFFFF60];
	[tilespmem:s20+$0xFFFFFFD0] =	vst v6  }
0x1a7: {  	v5 =	vadd.f32 v5, v13;
	v6 =	vadd.s32 v9, v11;
	v9 =	vld [tilespmem:s30+$0xFFFFFF60]  }
0x1a8: {  	v2 =	vadd.f32 v7, v2;
	v6 =	vadd.s32 v15, v6;
	v7 =	vld [tilespmem:s8+$0xFFFFFFE0]  }
0x1a9: {  	[tilespmem:s11+$0xFFFFFF00] =	vst v5;
	v5 =	vld [tilespmem:s14+$0x90]  }
0x1aa: {  	v11 =	vld [tilespmem:s5+$0xFFFFFF10];
	[tilespmem:s11+$0xFFFFFF80] =	vst v2;
	v2 =	vadd.f32 v10, v3  }
0x1ab: {  	v1 =	vadd.f32 v1, v4;
	v3 =	vld [tilespmem:s12+$0xFFFFFF10];
	v8 =	vmul.u32 $0xA8, v8  }
0x1ac: {  	v4 =	vld [tilespmem:s5+$0xFFFFFF90];
	[tilespmem:s11+$0x0] =	vst v2;
	v2 =	vmul.u32 $0x18, v9  }
0x1ad: {  	v6 =	vld.idx.msk [tilespmem:v6+s7+$0x0], $0xffff;
	v7 =	vmul.u32 $0xA8, v7;
	[tilespmem:s20+$0x50] =	vst v1  }
0x1ae: {  	v1 =	vld [tilespmem:s12+$0xFFFFFF90];
	v5 =	vadd.s32 $0xFFFFF821, v5;
	v2 =	vadd.s32 v8, v2  }
0x1af: {  	v8 =	vmul.u32 $0xA8, v11;
	v9 =	vld [tilespmem:s5+$0x10];
	v5 =	vcvt.s32.f32 v5  }
0x1b0: {  	v3 =	vmul.u32 $0x18, v3;
	v10 =	vld [tilespmem:s12+$0x10]  }
0x1b1: {  	v11 =	vld [tilespmem:s13+$0xFFFFFF10];
	v4 =	vmul.u32 $0xA8, v4;
	v5 =	vmul.f32 v5, v0  }
0x1b2: {  	v3 =	vadd.s32 v8, v3;
	v8 =	vld [tilespmem:s13+$0xFFFFFF90]  }
0x1b3: {  	v1 =	vmul.u32 $0x18, v1;
	v12 =	vld [tilespmem:s13+$0x10];
	v5 =	vadd.f32 v5, v6  }
0x1b4: {  	v6 =	vld [tilespmem:s14+$0xFFFFFF10];
	v9 =	vmul.u32 $0xA8, v9  }
0x1b5: {  	v13 =	vld [tilespmem:s14+$0xFFFFFF90];
	v1 =	vadd.s32 v4, v1;
	v4 =	vmul.u32 $0x18, v10;
	[tilespmem:s11+$0x90] =	vst v5  }
0x1b6: {  	v3 =	vadd.s32 v11, v3;
	v5 =	vld [tilespmem:s5+$0xA0]  }
0x1b7: {  	v1 =	vadd.s32 v8, v1;
	v4 =	vadd.s32 v9, v4;
	v8 =	vld [tilespmem:s12+$0xA0]  }
0x1b8: {  	v9 =	vld [tilespmem:s14+$0x10];
	v4 =	vadd.s32 v12, v4  }
0x1b9: {  	v6 =	vadd.s32 $0xFFFFF821, v6;
	v10 =	vld [tilespmem:s30+$0xFFFFFFE0]  }
0x1ba: {  	v6 =	vcvt.s32.f32 v6;
	v11 =	vadd.s32 $0xFFFFF821, v13;
	v12 =	vld [tilespmem:s13+$0xA0]  }
0x1bb: {  	v3 =	vld.idx.msk [tilespmem:v3+s7+$0x0], $0xffff;
	v11 =	vcvt.s32.f32 v11  }
0x1bc: {  	v5 =	vmul.u32 $0xA8, v5;
	v6 =	vmul.f32 v6, v0;
	v1 =	vld.idx.msk [tilespmem:v1+s7+$0x0], $0xffff;
	v8 =	vmul.u32 $0x18, v8  }
0x1bd: {  	v11 =	vmul.f32 v11, v0;
	v4 =	vld.idx.msk [tilespmem:v4+s7+$0x0], $0xffff;
	v9 =	vadd.s32 $0xFFFFF821, v9  }
0x1be: {  	v9 =	vcvt.s32.f32 v9;
	v5 =	vadd.s32 v5, v8;
	v8 =	vmul.u32 $0x18, v10;
	v10 =	vld [tilespmem:s8+$0x60]  }
0x1bf: {  	v5 =	vadd.s32 v12, v5;
	v12 =	vld [tilespmem:s30+$0x60]  }
0x1c0: {  	v9 =	vmul.f32 v9, v0;
	v13 =	vld [tilespmem:s14+$0xA0];
	v7 =	vadd.s32 v7, v8  }
0x1c1: {  	v3 =	vadd.f32 v6, v3;
	v6 =	vld [tilespmem:s3+$0xFFFFFF60]  }
0x1c2: {  	v1 =	vadd.f32 v11, v1;
	v8 =	vld [tilespmem:s3+$0xFFFFFFE0]  }
0x1c3: {  	[tilespmem:s11+$0xFFFFFF10] =	vst v3;
	v3 =	vadd.f32 v9, v4;
	v4 =	vld [tilespmem:s3+$0x60];
	v9 =	vmul.u32 $0xA8, v10  }
0x1c4: {  	[tilespmem:s11+$0xFFFFFF90] =	vst v1;
	v5 =	vld.idx.msk [tilespmem:v5+s7+$0x0], $0xffff;
	v1 =	vmul.u32 $0x18, v12  }
0x1c5: {  	v10 =	vld [tilespmem:s5+$0xFFFFFF20];
	[tilespmem:s11+$0x10] =	vst v3;
	v3 =	vadd.s32 $0xFFFFF821, v13  }
0x1c6: {  	v11 =	vld [tilespmem:s12+$0xFFFFFF20];
	v3 =	vcvt.s32.f32 v3;
	v2 =	vadd.s32 v6, v2;
	v1 =	vadd.s32 v9, v1  }
0x1c7: {  	v6 =	vld [tilespmem:s5+$0xFFFFFFA0];
	v7 =	vadd.s32 v8, v7  }
0x1c8: {  	v8 =	vld [tilespmem:s12+$0xFFFFFFA0];
	v3 =	vmul.f32 v3, v0;
	v1 =	vadd.s32 v4, v1  }
0x1c9: {  	v4 =	vld [tilespmem:s5+$0x20]  }
0x1ca: {  	v9 =	vmul.u32 $0xA8, v10;
	v10 =	vld [tilespmem:s12+$0x20];
	v3 =	vadd.f32 v3, v5  }
0x1cb: {  	v5 =	vld [tilespmem:s13+$0xFFFFFF20];
	v11 =	vmul.u32 $0x18, v11  }
0x1cc: {  	v12 =	vld [tilespmem:s13+$0xFFFFFFA0];
	v6 =	vmul.u32 $0xA8, v6;
	[tilespmem:s11+$0xA0] =	vst v3  }
0x1cd: {  	v3 =	vadd.s32 v9, v11;
	v8 =	vmul.u32 $0x18, v8;
	v9 =	vld [tilespmem:s5+$0xB0]  }
0x1ce: {  	v4 =	vmul.u32 $0xA8, v4;
	v11 =	vld [tilespmem:s12+$0xB0]  }
0x1cf: {  	v6 =	vadd.s32 v6, v8;
	v8 =	vld [tilespmem:s13+$0x20];
	v10 =	vmul.u32 $0x18, v10  }
0x1d0: {  	v13 =	vld [tilespmem:s14+$0xFFFFFF20];
	v3 =	vadd.s32 v5, v3  }
0x1d1: {  	v5 =	vadd.s32 v12, v6;
	v4 =	vadd.s32 v4, v10;
	v6 =	vld [tilespmem:s13+$0xB0]  }
0x1d2: {  	v10 =	vld [tilespmem:s14+$0xFFFFFFA0]  }
0x1d3: {  	v9 =	vmul.u32 $0xA8, v9;
	v12 =	vld [tilespmem:s14+$0x20];
	v11 =	vmul.u32 $0x18, v11  }
0x1d4: {  	v4 =	vadd.s32 v8, v4;
	v8 =	vld [tilespmem:s2+$0xFFFFFF60]  }
0x1d5: {  	v3 =	vld.idx.msk [tilespmem:v3+s7+$0x0], $0xffff;
	v13 =	vadd.s32 $0xFFFFF821, v13;
	v9 =	vadd.s32 v9, v11  }
0x1d6: {  	v11 =	vcvt.s32.f32 v13;
	v5 =	vld.idx.msk [tilespmem:v5+s7+$0x0], $0xffff;
	v6 =	vadd.s32 v6, v9  }
0x1d7: {  	v9 =	vadd.s32 $0xFFFFF821, v10;
	v10 =	vld [tilespmem:s14+$0xB0]  }
0x1d8: {  	v11 =	vmul.f32 v11, v0;
	v9 =	vcvt.s32.f32 v9;
	v12 =	vadd.s32 $0xFFFFF821, v12;
	v13 =	vld [tilespmem:s2+$0xFFFFFFE0]  }
0x1d9: {  	v4 =	vld.idx.msk [tilespmem:v4+s7+$0x0], $0xffff;
	v12 =	vcvt.s32.f32 v12;
	v8 =	vadd.s32 $0xFFFFF821, v8  }
0x1da: {  	v9 =	vmul.f32 v9, v0;
	v8 =	vcvt.s32.f32 v8;
	v14 =	vld [tilespmem:s2+$0x60]  }
0x1db: {  	v3 =	vadd.f32 v11, v3;
	v11 =	vmul.f32 v12, v0;
	v6 =	vld.idx.msk [tilespmem:v6+s7+$0x0], $0xffff  }
0x1dc: {  	v5 =	vadd.f32 v9, v5;
	v9 =	vadd.s32 $0xFFFFF821, v10;
	v2 =	vld.idx.msk [tilespmem:v2+s7+$0x0], $0xffff;
	v8 =	vmul.f32 v8, v0  }
0x1dd: {  	[tilespmem:s11+$0xFFFFFF20] =	vst v3;
	v3 =	vcvt.s32.f32 v9;
	v7 =	vld.idx.msk [tilespmem:v7+s7+$0x0], $0xffff;
	v9 =	vadd.s32 $0xFFFFF821, v13  }
0x1de: {  	v10 =	vld [tilespmem:s5+$0xFFFFFF30];
	[tilespmem:s11+$0xFFFFFFA0] =	vst v5;
	v5 =	vcvt.s32.f32 v9  }
0x1df: {  	v4 =	vadd.f32 v11, v4;
	v9 =	vld [tilespmem:s12+$0xFFFFFF30];
	v3 =	vmul.f32 v3, v0;
	v11 =	vadd.s32 $0xFFFFF821, v14  }
0x1e0: {  	v12 =	vld [tilespmem:s5+$0xFFFFFFB0];
	v5 =	vmul.f32 v5, v0;
	v11 =	vcvt.s32.f32 v11  }
0x1e1: {  	v13 =	vld [tilespmem:s12+$0xFFFFFFB0];
	[tilespmem:s11+$0x20] =	vst v4;
	v3 =	vadd.f32 v3, v6  }
0x1e2: {  	v2 =	vadd.f32 v8, v2;
	v4 =	vld [tilespmem:s5+$0x30];
	v6 =	vmul.f32 v11, v0  }
0x1e3: {  	v8 =	vmul.u32 $0xA8, v10;
	v10 =	vld [tilespmem:s12+$0x30];
	[tilespmem:s11+$0xB0] =	vst v3;
	v3 =	vadd.f32 v5, v7  }
0x1e4: {  	v5 =	vmul.u32 $0x18, v9;
	v7 =	vld [tilespmem:s5+$0xC0];
	[tilespmem:s20+$0xFFFFFF60] =	vst v2  }
0x1e5: {  	v2 =	vmul.u32 $0xA8, v12;
	v9 =	vld [tilespmem:s12+$0xC0];
	[tilespmem:s20+$0xFFFFFFE0] =	vst v3  }
0x1e6: {  	v3 =	vld [tilespmem:s13+$0xFFFFFF30];
	v5 =	vadd.s32 v8, v5;
	v8 =	vmul.u32 $0x18, v13  }
0x1e7: {  	v11 =	vld [tilespmem:s13+$0xFFFFFFB0];
	v4 =	vmul.u32 $0xA8, v4  }
0x1e8: {  	v2 =	vadd.s32 v2, v8;
	v8 =	vmul.u32 $0x18, v10;
	v10 =	vld [tilespmem:s13+$0xC0]  }
0x1e9: {  	v12 =	vld [tilespmem:s13+$0x30]  }
0x1ea: {  	v7 =	vmul.u32 $0xA8, v7;
	v13 =	vld [tilespmem:s14+$0xFFFFFF30];
	v4 =	vadd.s32 v4, v8;
	v8 =	vmul.u32 $0x18, v9  }
0x1eb: {  	v3 =	vadd.s32 v3, v5;
	v5 =	vld [tilespmem:s14+$0xFFFFFFB0]  }
0x1ec: {  	v2 =	vadd.s32 v11, v2;
	v9 =	vld [tilespmem:s14+$0x30];
	v7 =	vadd.s32 v7, v8  }
0x1ed: {  	v7 =	vadd.s32 v10, v7;
	v1 =	vld.idx.msk [tilespmem:v1+s7+$0x0], $0xffff  }
0x1ee: {  	v4 =	vadd.s32 v12, v4;
	v8 =	vld [tilespmem:s14+$0xC0]  }
0x1ef: {  	v10 =	vadd.s32 $0xFFFFF821, v13;
	v11 =	vld [tilespmem:s8+$0xFFFFFF70]  }
0x1f0: {  	v3 =	vld.idx.msk [tilespmem:v3+s7+$0x0], $0xffff;
	v10 =	vcvt.s32.f32 v10;
	v5 =	vadd.s32 $0xFFFFF821, v5  }
0x1f1: {  	v2 =	vld.idx.msk [tilespmem:v2+s7+$0x0], $0xffff;
	v5 =	vcvt.s32.f32 v5;
	v9 =	vadd.s32 $0xFFFFF821, v9  }
0x1f2: {  	v10 =	vmul.f32 v10, v0;
	v9 =	vcvt.s32.f32 v9;
	v7 =	vld.idx.msk [tilespmem:v7+s7+$0x0], $0xffff  }
0x1f3: {  	v1 =	vadd.f32 v6, v1;
	v5 =	vmul.f32 v5, v0;
	v4 =	vld.idx.msk [tilespmem:v4+s7+$0x0], $0xffff;
	v8 =	vadd.s32 $0xFFFFF821, v8  }
0x1f4: {  	v6 =	vmul.f32 v9, v0;
	v8 =	vcvt.s32.f32 v8;
	v9 =	vld [tilespmem:s30+$0xFFFFFF70];
	v11 =	vmul.u32 $0xA8, v11  }
0x1f5: {  	v12 =	vld [tilespmem:s8+$0xFFFFFFF0];
	[tilespmem:s20+$0x60] =	vst v1  }
0x1f6: {  	v1 =	vadd.f32 v10, v3;
	v3 =	vmul.f32 v8, v0;
	v8 =	vld [tilespmem:s30+$0xFFFFFFF0]  }
0x1f7: {  	v2 =	vadd.f32 v5, v2;
	v5 =	vld [tilespmem:s8+$0x70];
	s8 =	smov.u32 s5  }
0x1f8: {  	[tilespmem:s11+$0xFFFFFF30] =	vst v1;
	v1 =	vadd.f32 v3, v7;
	v3 =	vld [tilespmem:s30+$0x70];
	s30 =	smov.u32 s12  }
0x1f9: {  	v7 =	vld [tilespmem:s5+$0xFFFFFF40];
	[tilespmem:s11+$0xFFFFFFB0] =	vst v2;
	v2 =	vadd.f32 v6, v4;
	v4 =	vmul.u32 $0x18, v9  }
0x1fa: {  	v6 =	vld [tilespmem:s12+$0xFFFFFF40];
	[tilespmem:s11+$0xC0] =	vst v1;
	v1 =	vmul.u32 $0xA8, v12  }
0x1fb: {  	[tilespmem:s11+$0x30] =	vst v2;
	v2 =	vld [tilespmem:s5+$0xD0];
	v4 =	vadd.s32 v11, v4;
	v8 =	vmul.u32 $0x18, v8  }
0x1fc: {  	v9 =	vld [tilespmem:s12+$0xD0];
	v5 =	vmul.u32 $0xA8, v5  }
0x1fd: {  	v10 =	vld [tilespmem:s5+$0xFFFFFFC0];
	v1 =	vadd.s32 v1, v8;
	v3 =	vmul.u32 $0x18, v3  }
0x1fe: {  	v7 =	vmul.u32 $0xA8, v7;
	v8 =	vld [tilespmem:s12+$0xFFFFFFC0]  }
0x1ff: {  	v6 =	vmul.u32 $0x18, v6;
	v11 =	vld [tilespmem:s13+$0xD0];
	v3 =	vadd.s32 v5, v3  }
0x200: {  	v5 =	vld [tilespmem:s5+$0x40]  }
0x201: {  	v2 =	vmul.u32 $0xA8, v2;
	v6 =	vadd.s32 v7, v6;
	v7 =	vld [tilespmem:s12+$0x40];
	v9 =	vmul.u32 $0x18, v9  }
0x202: {  	v12 =	vld [tilespmem:s13+$0xFFFFFF40];
	v10 =	vmul.u32 $0xA8, v10  }
0x203: {  	v13 =	vld [tilespmem:s13+$0xFFFFFFC0];
	v8 =	vmul.u32 $0x18, v8;
	v2 =	vadd.s32 v2, v9  }
0x204: {  	v9 =	vld [tilespmem:s13+$0x40];
	v2 =	vadd.s32 v11, v2  }
0x205: {  	v8 =	vadd.s32 v10, v8;
	v5 =	vmul.u32 $0xA8, v5;
	v10 =	vld [tilespmem:s14+$0xD0]  }
0x206: {  	v11 =	vld [tilespmem:s14+$0xFFFFFF40];
	v7 =	vmul.u32 $0x18, v7  }
0x207: {  	v6 =	vadd.s32 v12, v6;
	v12 =	vld [tilespmem:s14+$0xFFFFFFC0]  }
0x208: {  	v8 =	vadd.s32 v13, v8;
	v13 =	vld [tilespmem:s14+$0x40];
	v5 =	vadd.s32 v5, v7  }
0x209: {  	v5 =	vadd.s32 v9, v5;
	v2 =	vld.idx.msk [tilespmem:v2+s7+$0x0], $0xffff  }
0x20a: {  	v7 =	vadd.s32 $0xFFFFF821, v10;
	v9 =	vld [tilespmem:s3+$0xFFFFFF70]  }
0x20b: {  	v10 =	vadd.s32 $0xFFFFF821, v11;
	v7 =	vcvt.s32.f32 v7;
	v11 =	vld [tilespmem:s3+$0xFFFFFFF0]  }
0x20c: {  	v6 =	vld.idx.msk [tilespmem:v6+s7+$0x0], $0xffff;
	v10 =	vcvt.s32.f32 v10;
	v12 =	vadd.s32 $0xFFFFF821, v12  }
0x20d: {  	v8 =	vld.idx.msk [tilespmem:v8+s7+$0x0], $0xffff;
	v12 =	vcvt.s32.f32 v12;
	v13 =	vadd.s32 $0xFFFFF821, v13;
	v7 =	vmul.f32 v7, v0  }
0x20e: {  	v10 =	vmul.f32 v10, v0;
	v5 =	vld.idx.msk [tilespmem:v5+s7+$0x0], $0xffff;
	v13 =	vcvt.s32.f32 v13  }
0x20f: {  	v12 =	vmul.f32 v12, v0;
	v2 =	vadd.f32 v7, v2;
	v7 =	vadd.s32 v9, v4;
	v4 =	vld [tilespmem:s3+$0x70];
	s3 =	smov.u32 s13  }
0x210: {  	v9 =	vmul.f32 v13, v0;
	v13 =	vld [tilespmem:s2+$0xFFFFFF70];
	v14 =	vadd.s32 v11, v1  }
0x211: {  	[tilespmem:s11+$0xD0] =	vst v2;
	v1 =	vld [tilespmem:s2+$0xFFFFFFF0]  }
0x212: {  	v2 =	vadd.f32 v10, v6;
	v6 =	vld [tilespmem:s5+$0xE0]  }
0x213: {  	v8 =	vadd.f32 v12, v8;
	v10 =	vld [tilespmem:s12+$0xE0]  }
0x214: {  	[tilespmem:s11+$0xFFFFFF40] =	vst v2;
	v2 =	vadd.f32 v9, v5;
	v5 =	vld [tilespmem:s2+$0x70];
	v15 =	vadd.s32 v4, v3;
	s2 =	smov.u32 s14  }
0x215: {  	v3 =	vld [tilespmem:s5+$0xFFFFFF50];
	[tilespmem:s11+$0xFFFFFFC0] =	vst v8;
	v4 =	vadd.s32 $0xFFFFF821, v13  }
0x216: {  	[tilespmem:s11+$0x40] =	vst v2;
	v8 =	vld [tilespmem:s13+$0xE0];
	v2 =	vcvt.s32.f32 v4;
	v1 =	vadd.s32 $0xFFFFF821, v1  }
0x217: {  	v4 =	vld [tilespmem:s12+$0xFFFFFF50];
	v9 =	vcvt.s32.f32 v1  }
0x218: {  	v6 =	vmul.u32 $0xA8, v6;
	v11 =	vld [tilespmem:s5+$0xFFFFFFD0];
	v10 =	vmul.u32 $0x18, v10;
	v1 =	vmul.f32 v2, v0  }
0x219: {  	v12 =	vld [tilespmem:s12+$0xFFFFFFD0];
	v2 =	vmul.f32 v9, v0;
	v5 =	vadd.s32 $0xFFFFF821, v5  }
0x21a: {  	v9 =	vmul.u32 $0xA8, v3;
	v13 =	vld [tilespmem:s5+$0x50];
	v3 =	vadd.s32 v6, v10;
	v5 =	vcvt.s32.f32 v5  }
0x21b: {  	v6 =	vld [tilespmem:s12+$0x50];
	v8 =	vadd.s32 v8, v3  }
0x21c: {  	v4 =	vmul.u32 $0x18, v4;
	v10 =	vld [tilespmem:s14+$0xE0];
	v3 =	vmul.f32 v5, v0  }
0x21d: {  	v5 =	vld [tilespmem:s13+$0xFFFFFF50];
	v11 =	vmul.u32 $0xA8, v11  }
0x21e: {  	v4 =	vadd.s32 v9, v4;
	v9 =	vld [tilespmem:s13+$0xFFFFFFD0];
	v12 =	vmul.u32 $0x18, v12  }
0x21f: {  	v16 =	vld [tilespmem:s13+$0x50];
	v13 =	vmul.u32 $0xA8, v13  }
0x220: {  	v12 =	vadd.s32 v11, v12;
	v6 =	vmul.u32 $0x18, v6;
	v17 =	vld.idx.msk [tilespmem:v8+s7+$0x0], $0xffff  }
0x221: {  	v18 =	vld [tilespmem:s14+$0xFFFFFF50];
	v10 =	vadd.s32 $0xFFFFF821, v10  }
.Ltmp0:
0x222: {  	v8 =	vadd.s32 v5, v4;
	v11 =	vld [tilespmem:s14+$0xFFFFFFD0];
	v4 =	vadd.s32 v13, v6;
	v5 =	vcvt.s32.f32 v10;
	(pc) =	sbr.rel @p1 .LBB2_3-.Ltmp0, $4  }
0x223: {  	v9 =	vadd.s32 v9, v12;
	v12 =	vld [tilespmem:s14+$0x50]  }
0x224: {  	v4 =	vadd.s32 v16, v4;
	v10 =	vmul.f32 v5, v0;
	v5 =	vld.idx.msk [tilespmem:v7+s7+$0x0], $0xffff  }
0x225: {  	v6 =	vld.idx.msk [tilespmem:v14+s7+$0x0], $0xffff  }
0x226: {  	s5 =	sadd.s32 $0x200, s5;
	v13 =	vadd.s32 $0xFFFFF821, v18;
	v10 =	vadd.f32 v10, v17;
	v7 =	vld.idx.msk [tilespmem:v15+s7+$0x0], $0xffff  }
0x227: {  	_ =	sdelay $0x3  }
0x228: {  	v8 =	vld.idx.msk [tilespmem:v8+s7+$0x0], $0xffff  }
0x229: {  	v13 =	vcvt.s32.f32 v13  }
0x22a: {  	v11 =	vadd.s32 $0xFFFFF821, v11;
	v9 =	vld.idx.msk [tilespmem:v9+s7+$0x0], $0xffff  }
0x22b: {  	v11 =	vcvt.s32.f32 v11;
	v13 =	vmul.f32 v13, v0;
	_ =	sdelay $0x1  }
0x22c: {  	v4 =	vld.idx.msk [tilespmem:v4+s7+$0x0], $0xffff;
	v12 =	vadd.s32 $0xFFFFF821, v12;
	v11 =	vmul.f32 v11, v0;
	v8 =	vadd.f32 v13, v8  }
0x22d: {  	v12 =	vcvt.s32.f32 v12  }
0x22e: {  	v9 =	vadd.f32 v11, v9;
	[tilespmem:s11+$0xFFFFFF50] =	vst v8  }
0x22f: {  	v12 =	vmul.f32 v12, v0;
	v8 =	vld [tilespmem:s8+$0xFFFFFF60]  }
0x230: {  	[tilespmem:s11+$0xFFFFFFD0] =	vst v9;
	v22 =	vld [tilespmem:s30+$0xFFFFFF60]  }
0x231: {  	v4 =	vadd.f32 v12, v4;
	v23 =	vld [tilespmem:s8+$0xFFFFFFE0]  }
0x232: {  	v24 =	vld [tilespmem:s30+$0xFFFFFFE0]  }
0x233: {  	[tilespmem:s11+$0x50] =	vst v4;
	v26 =	vld [tilespmem:s3+$0xFFFFFF60]  }
0x234: {  	v25 =	vld [tilespmem:s8+$0x60]  }
0x235: {  	v14 =	vld [tilespmem:s30+$0x60]  }
0x236: {  	v15 =	vld [tilespmem:s3+$0xFFFFFFE0];
	v8 =	vmul.u32 $0xA8, v8;
	v9 =	vmul.u32 $0x18, v22;
	_ =	sdelay $0x1  }
0x237: {  	v27 =	vld [tilespmem:s3+$0x60];
	v11 =	vmul.u32 $0xA8, v23;
	v4 =	vmul.u32 $0x18, v24;
	v8 =	vadd.s32 v8, v9  }
0x238: {  	v28 =	vld [tilespmem:s2+$0xFFFFFF60];
	v8 =	vadd.s32 v26, v8  }
0x239: {  	v29 =	vmul.u32 $0xA8, v25;
	v30 =	vmul.u32 $0x18, v14;
	v4 =	vadd.s32 v11, v4  }
0x23a: {  	v31 =	vld [tilespmem:s2+$0xFFFFFFE0];
	v4 =	vadd.s32 v15, v4  }
0x23b: {  	v11 =	vadd.s32 v29, v30  }
0x23c: {  	v32 =	vld [tilespmem:s2+$0x60];
	v9 =	vadd.s32 v27, v11  }
0x23d: {  	v33 =	vadd.s32 $0xFFFFF821, v28;
	v8 =	vld.idx.msk [tilespmem:v8+s7+$0x0], $0xffff  }
0x23e: {  	v12 =	vcvt.s32.f32 v33  }
0x23f: {  	v34 =	vadd.s32 $0xFFFFF821, v31;
	v4 =	vld.idx.msk [tilespmem:v4+s7+$0x0], $0xffff  }
0x240: {  	v13 =	vcvt.s32.f32 v34;
	v12 =	vmul.f32 v12, v0  }
0x241: {  	[tilespmem:s11+$0xE0] =	vst v10;
	v35 =	vadd.s32 $0xFFFFF821, v32;
	v9 =	vld.idx.msk [tilespmem:v9+s7+$0x0], $0xffff  }
0x242: {  	v36 =	vld [tilespmem:s8+$0xF0];
	v10 =	vcvt.s32.f32 v35;
	v13 =	vmul.f32 v13, v0;
	v8 =	vadd.f32 v12, v8  }
0x243: {  	v37 =	vld [tilespmem:s30+$0xF0]  }
0x244: {  	v38 =	vld [tilespmem:s3+$0xF0];
	v10 =	vmul.f32 v10, v0;
	v4 =	vadd.f32 v13, v4;
	[tilespmem:s11+$0xFFFFFF60] =	vst v8  }
0x245: {  	v8 =	vld [tilespmem:s8+$0xFFFFFF70]  }
0x246: {  	v39 =	vadd.f32 v10, v9;
	[tilespmem:s11+$0xFFFFFFE0] =	vst v4;
	v40 =	vld [tilespmem:s30+$0xFFFFFF70]  }
0x247: {  	v41 =	vld [tilespmem:s8+$0xFFFFFFF0]  }
0x248: {  	[tilespmem:s11+$0x60] =	vst v39;
	v42 =	vld [tilespmem:s30+$0xFFFFFFF0]  }
0x249: {  	v43 =	vld [tilespmem:s8+$0x70]  }
0x24a: {  	v44 =	vld [tilespmem:s30+$0x70]  }
0x24b: {  	v11 =	vmul.u32 $0xA8, v36;
	v12 =	vmul.u32 $0x18, v37;
	v16 =	vld [tilespmem:s3+$0xFFFFFF70]  }
0x24c: {  	v17 =	vld [tilespmem:s3+$0xFFFFFFF0]  }
0x24d: {  	v11 =	vadd.s32 v11, v12;
	v45 =	vld [tilespmem:s3+$0x70];
	v8 =	vmul.u32 $0xA8, v8;
	v9 =	vmul.u32 $0x18, v40  }
0x24e: {  	v11 =	vadd.s32 v38, v11;
	v10 =	vmul.u32 $0xA8, v41;
	v4 =	vmul.u32 $0x18, v42  }
0x24f: {  	v46 =	vld [tilespmem:s2+$0xF0];
	v13 =	vmul.u32 $0xA8, v43;
	v47 =	vmul.u32 $0x18, v44;
	v8 =	vadd.s32 v8, v9  }
0x250: {  	v48 =	vld [tilespmem:s2+$0xFFFFFF70];
	v4 =	vadd.s32 v10, v4;
	v8 =	vadd.s32 v16, v8  }
0x251: {  	v49 =	vld [tilespmem:s2+$0xFFFFFFF0];
	v13 =	vadd.s32 v13, v47;
	v4 =	vadd.s32 v17, v4  }
0x252: {  	v50 =	vld [tilespmem:s2+$0x70];
	v12 =	vadd.s32 v45, v13;
	_ =	sdelay $0x1  }
0x253: {  	v11 =	vld.idx.msk [tilespmem:v11+s7+$0x0], $0xffff;
	v9 =	vadd.s32 $0xFFFFF821, v46  }
0x254: {  	v1 =	vadd.f32 v1, v5;
	v52 =	vadd.s32 $0xFFFFF821, v48;
	v51 =	vcvt.s32.f32 v9;
	v8 =	vld.idx.msk [tilespmem:v8+s7+$0x0], $0xffff  }
0x255: {  	v2 =	vadd.f32 v2, v6;
	v54 =	vadd.s32 $0xFFFFF821, v49;
	v53 =	vcvt.s32.f32 v52;
	v4 =	vld.idx.msk [tilespmem:v4+s7+$0x0], $0xffff  }
0x256: {  	v55 =	vadd.s32 $0xFFFFF821, v50;
	v9 =	vcvt.s32.f32 v54;
	v5 =	vmul.f32 v51, v0;
	v12 =	vld.idx.msk [tilespmem:v12+s7+$0x0], $0xffff  }
0x257: {  	[tilespmem:s20+$0xFFFFFF70] =	vst v1;
	v56 =	vadd.f32 v3, v7;
	v58 =	vcvt.s32.f32 v55;
	v57 =	vmul.f32 v53, v0  }
0x258: {  	[tilespmem:s20+$0xFFFFFFF0] =	vst v2;
	v60 =	vmul.f32 v9, v0;
	v59 =	vadd.f32 v5, v11  }
0x259: {  	p1 =	sne.s32 s18, s17;
	[tilespmem:s20+$0x70] =	vst v56;
	v61 =	vmul.f32 v58, v0;
	v62 =	vadd.f32 v57, v8  }
0x25a: {  	p0 =	por p0, p1;
	[tilespmem:s11+$0xF0] =	vst v59;
	v63 =	vadd.f32 v60, v4  }
0x25b: {  	s0 =	smul.u32 @p0 $0x1800, s0;
	v0 =	vadd.f32 v61, v12;
	[tilespmem:s11+$0xFFFFFF70] =	vst v62  }
0x25c: {  	[tilespmem:s11+$0xFFFFFFF0] =	vst v63  }
0x25d: {  	s0 =	sshrl.u32 @p0 s0, $0x3;
	[tilespmem:s11+$0x70] =	vst v0  }
0x25e: {  	p1 =	seq.s32 s16, $0x0;
	s0 =	sadd.s32 @p0 s9, s0;
	_ =	strace $0x90000051  }
0x25f: {  	s2 =	sadd.s32 @p0 $0x9, s19;
	s3 =	simm.s32 @p0 $0x0;
	_ =	strace @p0 $0x80000052  }
0x260: {  	[hbm4b:s0+s3] =	stream.linear.scatter @p0 [tilespmem:s1], [sflag:s2], $0x1800, $0x200038;
	[tilespmem:$0x11410] =	vst v63  }
0x261: {  	s0 =	sand.u32 @!p1 $0x1, s24;
	_ =	strace @p0 $0x90000052  }
0x262: {  	s0 =	sadd.s32 @!p1 $0x9, s0;
	_ =	strace @!p1 $0x80000053  }
0x263: {  	s1 =	simm.s32 $0x1;
	_ =	swait.ge @!p1 [sflag:s0], $0x1800  }
0x264: {  	s1 =	simm.s32 @!p0 $0x0;
	p0 =	sne.s32 s16, $0x0;
	[sflag:s0] =	ssyncset.done @!p1 $0x0  }
0x265: {  	s16 =	sadd.s32 $0x1, s16;
	[sflag:s0] =	ssyncadd.s32 @!p1 $0xFFFFE800;
	s0 =	simm.s32 $0x1  }
0x266: {  	s0 =	simm.s32 @!p0 $0x0;
	p0 =	sne.s32 s16, $0xE  }
.Ltmp1:
0x267: {  	_ = 	snop;
	(pc) =	sbr.rel @p0 .LBB2_2-.Ltmp1, $4  }
0x268: {  	_ = 	snop  }
0x269: {  	s28 =	sadd.s32 s28, s23;
	s18 =	smov.u32 s17;
	s25 =	sadd.s32 s1, s25  }
0x26a: {  	s6 =	sadd.s32 s1, s6;
	s31 =	sadd.s32 s1, s31;
	s29 =	sadd.s32 s1, s29  }
0x26b: {  	s26 =	sadd.s32 s1, s26;
	_ =	strace @!p1 $0x90000053;
	s24 =	sadd.s32 s0, s24  }
0x26c: {  	_ =	strace $0x80000054;
	s0 =	simm.s32 $0xA  }
0x26d: {  	_ =	swait.ge [sflag:s0], $0x1800  }
0x26e: {  	s1 =	rddreg [dreg:$0xd]  }
0x26f: {  	s31 =	rddreg [dreg:$0xc];
	s1 =	sadd.s32 $0x1, s1  }
0x270: {  	p0 =	sne.s32 s1, s31  }
.Ltmp2:
0x271: {  	_ = 	snop;
	(pc) =	sbr.rel @p0 .LBB2_1-.Ltmp2, $4  }
0x272: {  	_ = 	snop  }
0x273: {  	[sflag:s0] =	ssyncset.done $0x0  }
0x274: {  	[sflag:s0] =	ssyncadd.s32 $0xFFFFE800  }
0x275: {  	_ =	strace $0x90000054  }
0x276: {  	_ =	sfence.sel $0x180000  }
0x277: {  	[bflag:$0x0] =	sbarrier.arrive $0xFFFF  }
0x278: {  	_ =	strace $0x90000047  }
0x279: {  	s0 =	stileid.u32;
	[bflag:$0x2] =	sbarrier.arrive $0xFFFF  }
0x27a: {  	p0 =	sne.s32 s0, $0x0;
	s0 =	rddreg [dreg:$0x6]  }
0x27b: {  	s0 =	sadd.s32 @!p0 $0x100000, s0  }
0x27c: {  	[sflag:s0] =	ssyncadd.tile.s32 @!p0 $0x1;
	_ =	shalt  }
.Lfunc_end2:
_tile_overlayer_lowered:
.L_overlay_start_2:
0x27d: {  	(tag) =	ssettag $0x2  }
0x27e: {  	s0 =	rddreg [dreg:$0x0];
	s2 =	stileid.u32  }
0x27f: {  	s1 =	rddreg [dreg:$0x1];
	p0 =	sne.s32 s2, $0x0  }
0x280: {  	s3 =	rddreg [dreg:$0x2];
	[bflag:$0x3] =	sbarrier.arrive $0xFFFF;
	s2 =	simm.s32 @!p0 $0x1C01  }
0x281: {  	[timem:s3], [sflag:s2] =	dma.local @!p0 [hbm:s0], s1  }
0x282: {  	s0 =	simm.s32 @!p0 $0x1  }
0x283: {  	_ =	swait.ge @!p0 [sflag:s0], s1  }
0x284: {  	s1 =	ssub.s32 @!p0 $0x0, s1;
	[sflag:s0] =	ssyncset.done @!p0 $0x0  }
0x285: {  	[sflag:s0] =	ssyncadd.s32 @!p0 s1  }
0x286: {  	[bflag:$0x3] =	sbarrier.arrive $0xFFFF  }
0x287: {  	_ =	shalt  }

</sc_bundles>
